<compile_context>
chip_gen: v7x
topology: tpu7x:2x2x1
jax: 0.10.2.dev20260603
libtpu: 0.0.44.dev20260713+nightly
codegen_flags: <defaults>
</compile_context>

<pallas_src>
import functools

import jax
import jax.numpy as jnp
from jax import lax
from jax.experimental import pallas as pl
from jax.experimental.pallas import tpu as pltpu
from jax.experimental.pallas import tpu_sc as plsc

B = 16384
D = 16
CAP = 100000
INV_GRID = 100000.0

_info = plsc.get_sparse_core_info()
_NC, _NS, _L = _info.num_cores, _info.num_subcores, _info.num_lanes
PCH = 4096
NPCH = B // PCH
UNROLL = 4


@functools.partial(
    pl.kernel,
    out_type=jax.ShapeDtypeStruct((2 * D, B), jnp.float32),
    mesh=plsc.VectorSubcoreMesh(core_axis_name="c", subcore_axis_name="s"),
    compiler_params=pltpu.CompilerParams(needs_layout_passes=False),
    scratch_types=[
        pltpu.VMEM((CAP,), jnp.float32),
        pltpu.VMEM((B,), jnp.float32),
        pltpu.VMEM((2, PCH), jnp.float32),
        pltpu.SemaphoreType.DMA,
        pltpu.SemaphoreType.DMA,
    ],
)
def _grid_gather(obs_t, t0t, t1t, out, col_v, x_v, val_v, csem, osem):
    f = lax.axis_index("c")
    e = lax.axis_index("s")

    @pl.when(f == 0)
    def _():
        pltpu.async_copy(t0t.at[e], col_v, csem)
        pltpu.sync_copy(obs_t.at[0], x_v)

    @pl.when(f == 1)
    def _():
        pltpu.async_copy(t1t.at[e], col_v, csem)
        pltpu.sync_copy(obs_t.at[1], x_v)

    pltpu.make_async_copy(t0t.at[0], col_v, csem).wait()

    ocol = f * D + e
    pending = []
    for c in range(NPCH):
        slot = c % 2
        if len(pending) >= 2:
            pending[c - 2].wait()

        def body(i, carry):
            for u in range(UNROLL):
                j = UNROLL * i + u
                x = x_v[pl.ds(c * PCH + j * _L, _L)]
                r = (x * INV_GRID).astype(jnp.int32)
                val_v[slot, pl.ds(j * _L, _L)] = plsc.load_gather(col_v, [r])
            return carry

        lax.fori_loop(0, PCH // (UNROLL * _L), body, 0)
        pending.append(pltpu.async_copy(
            val_v.at[slot], out.at[ocol, pl.ds(c * PCH, PCH)], osem))
    pending[-2].wait()
    pending[-1].wait()


def kernel(obs, table0, table1):
    return _grid_gather(obs.T, table0.T, table1.T).T

# --- scband reference (transcript-rebuilt; emitter-appended) ---
"""Pipeline reference for scband-grid-encoder-231928234874 (READ-ONLY COPY).

The authoritative reference and input builder live on the scoring server;
editing this copy changes nothing except your own understanding.
"""

import jax, jax.numpy as jnp
import numpy as np

# init constants from init_kwargs
GRID_LEN = jnp.array([1e-05, 1e-05], dtype=jnp.float32)
MIN_OBS = jnp.array([0.0, 0.0], dtype=jnp.float32)
GRID_CAPACITY = (100000, 100000)
EMBED_DIMS = (16, 16)


def setup_inputs(seed: int = 0) -> dict:
    key = jax.random.key(seed)
    k_obs, k_t0, k_t1 = jax.random.split(key, 3)
    obs = jax.random.uniform(k_obs, (16384, 2), dtype=jnp.float32)
    table0 = jax.random.normal(k_t0, (GRID_CAPACITY[0], EMBED_DIMS[0]), dtype=jnp.float32)
    table1 = jax.random.normal(k_t1, (GRID_CAPACITY[1], EMBED_DIMS[1]), dtype=jnp.float32)
    return {"obs": obs, "table0": table0, "table1": table1}


def reference(obs, table0, table1):
    # gridding.culculate_grid_point_position: discretize continuous obs into grid indices
    grid_obs = jnp.floor((obs - MIN_OBS[None, :]) / GRID_LEN[None, :]).astype(jnp.int32)
    idx0 = jnp.clip(grid_obs[:, 0], 0, GRID_CAPACITY[0] - 1)
    idx1 = jnp.clip(grid_obs[:, 1], 0, GRID_CAPACITY[1] - 1)
    # per-feature embedding lookup, concatenated along dim 1
    e0 = jnp.take(table0, idx0, axis=0)
    e1 = jnp.take(table1, idx1, axis=0)
    return jnp.concatenate([e0, e1], axis=1)

if __name__ == "__main__":
    import jax
    _d = setup_inputs()
    print(jax.jit(kernel)(*tuple(_d.values())))

</pallas_src>

<mosaic_0001>
#map = affine_map<(d0, d1) -> (0, 0)>
module attributes {stable_mosaic.version = 14 : i64} {
  func.func @_grid_gather(%arg0: i32, %arg1: i32, %arg2: memref<2x16384xf32, #tpu.memory_space<hbm>>, %arg3: memref<16x100000xf32, #tpu.memory_space<hbm>>, %arg4: memref<16x100000xf32, #tpu.memory_space<hbm>>, %arg5: memref<32x16384xf32, #tpu.memory_space<hbm>>, %arg6: memref<100000xf32, #tpu.memory_space<vmem>>, %arg7: memref<16384xf32, #tpu.memory_space<vmem>>, %arg8: memref<2x4096xf32, #tpu.memory_space<vmem>>, %arg9: memref<!tpu.dma_semaphore, #tpu.memory_space<semaphore_mem>>, %arg10: memref<!tpu.dma_semaphore, #tpu.memory_space<semaphore_mem>>) attributes {dimension_semantics = [#tpu.dimension_semantics<core_parallel>, #tpu.dimension_semantics<subcore_parallel>], iteration_bounds = array<i64: 2, 16>, scalar_prefetch = 0 : i64, scratch_operands = 5 : i64, tpu.core_type = #tpu.core_type<sc_vector_subcore>, window_params = [{transform_indices = #map}, {transform_indices = #map}, {transform_indices = #map}, {transform_indices = #map}]} {
    %eq3A = arith.constant 0 : i32
    %eq3A_0 = arith.cmpi eq, %arg0, %eq3A : i32
    %convert_element_type3A = arith.extui %eq3A_0 : i1 to i32
    %cond3A = arith.constant 0 : i32
    %cond3A_1 = arith.cmpi ne, %convert_element_type3A, %cond3A : i32
    scf.if %cond3A_1 {
      %dma_start3A_140 = arith.constant 0 : i32
      %dma_start3A_141 = tpu.memref_slice %arg3[%arg1, %dma_start3A_140] : memref<16x100000xf32, #tpu.memory_space<hbm>> -> memref<1x100000xf32, #tpu.memory_space<hbm>>
      %dma_start3A_142 = tpu.memref_squeeze %dma_start3A_141 : memref<1x100000xf32, #tpu.memory_space<hbm>> -> memref<100000xf32, #tpu.memory_space<hbm>>
      %dma_start3A_143 = arith.constant 0 : i32
      %dma_start3A_144 = tpu.memref_slice %arg3[%arg1, %dma_start3A_143] : memref<16x100000xf32, #tpu.memory_space<hbm>> -> memref<1x100000xf32, #tpu.memory_space<hbm>>
      %dma_start3A_145 = tpu.memref_squeeze %dma_start3A_144 : memref<1x100000xf32, #tpu.memory_space<hbm>> -> memref<100000xf32, #tpu.memory_space<hbm>>
      tpu.enqueue_dma source(%dma_start3A_145 : memref<100000xf32, #tpu.memory_space<hbm>>) target(%arg6 : memref<100000xf32, #tpu.memory_space<vmem>>) target_semaphore(%arg9 : memref<!tpu.dma_semaphore, #tpu.memory_space<semaphore_mem>>)
      %run_scoped3A = arith.constant 0 : i32
      "tpu.region"() ({
        %run_scoped3A_146 = tpu.sem_alloc : memref<!tpu.dma_semaphore, #tpu.memory_space<semaphore_mem>>
        %dma_start3A_147 = arith.constant 0 : i32
        %dma_start3A_148 = tpu.memref_slice %arg2[%run_scoped3A, %dma_start3A_147] : memref<2x16384xf32, #tpu.memory_space<hbm>> -> memref<1x16384xf32, #tpu.memory_space<hbm>>
        %dma_start3A_149 = tpu.memref_squeeze %dma_start3A_148 : memref<1x16384xf32, #tpu.memory_space<hbm>> -> memref<16384xf32, #tpu.memory_space<hbm>>
        %dma_start3A_150 = arith.constant 0 : i32
        %dma_start3A_151 = tpu.memref_slice %arg2[%run_scoped3A, %dma_start3A_150] : memref<2x16384xf32, #tpu.memory_space<hbm>> -> memref<1x16384xf32, #tpu.memory_space<hbm>>
        %dma_start3A_152 = tpu.memref_squeeze %dma_start3A_151 : memref<1x16384xf32, #tpu.memory_space<hbm>> -> memref<16384xf32, #tpu.memory_space<hbm>>
        tpu.enqueue_dma source(%dma_start3A_152 : memref<16384xf32, #tpu.memory_space<hbm>>) target(%arg7 : memref<16384xf32, #tpu.memory_space<vmem>>) target_semaphore(%run_scoped3A_146 : memref<!tpu.dma_semaphore, #tpu.memory_space<semaphore_mem>>)
        %dma_wait3A_153 = arith.constant 0 : i32
        %dma_wait3A_154 = tpu.memref_slice %arg2[%run_scoped3A, %dma_wait3A_153] : memref<2x16384xf32, #tpu.memory_space<hbm>> -> memref<1x16384xf32, #tpu.memory_space<hbm>>
        %dma_wait3A_155 = tpu.memref_squeeze %dma_wait3A_154 : memref<1x16384xf32, #tpu.memory_space<hbm>> -> memref<16384xf32, #tpu.memory_space<hbm>>
        %dma_wait3A_156 = arith.constant 0 : i32
        %dma_wait3A_157 = tpu.memref_slice %arg2[%run_scoped3A, %dma_wait3A_156] : memref<2x16384xf32, #tpu.memory_space<hbm>> -> memref<1x16384xf32, #tpu.memory_space<hbm>>
        %dma_wait3A_158 = tpu.memref_squeeze %dma_wait3A_157 : memref<1x16384xf32, #tpu.memory_space<hbm>> -> memref<16384xf32, #tpu.memory_space<hbm>>
        tpu.wait_dma2 semaphore(%run_scoped3A_146 : memref<!tpu.dma_semaphore, #tpu.memory_space<semaphore_mem>>) src(%dma_wait3A_158 : memref<16384xf32, #tpu.memory_space<hbm>>) dst(%arg7 : memref<16384xf32, #tpu.memory_space<vmem>>)
        tpu.yield
      }) : () -> ()
    } else {
    }
    %eq3A_2 = arith.constant 1 : i32
    %eq3A_3 = arith.cmpi eq, %arg0, %eq3A_2 : i32
    %convert_element_type3A_4 = arith.extui %eq3A_3 : i1 to i32
    %cond3A_5 = arith.constant 0 : i32
    %cond3A_6 = arith.cmpi ne, %convert_element_type3A_4, %cond3A_5 : i32
    scf.if %cond3A_6 {
      %dma_start3A_140 = arith.constant 0 : i32
      %dma_start3A_141 = tpu.memref_slice %arg4[%arg1, %dma_start3A_140] : memref<16x100000xf32, #tpu.memory_space<hbm>> -> memref<1x100000xf32, #tpu.memory_space<hbm>>
      %dma_start3A_142 = tpu.memref_squeeze %dma_start3A_141 : memref<1x100000xf32, #tpu.memory_space<hbm>> -> memref<100000xf32, #tpu.memory_space<hbm>>
      %dma_start3A_143 = arith.constant 0 : i32
      %dma_start3A_144 = tpu.memref_slice %arg4[%arg1, %dma_start3A_143] : memref<16x100000xf32, #tpu.memory_space<hbm>> -> memref<1x100000xf32, #tpu.memory_space<hbm>>
      %dma_start3A_145 = tpu.memref_squeeze %dma_start3A_144 : memref<1x100000xf32, #tpu.memory_space<hbm>> -> memref<100000xf32, #tpu.memory_space<hbm>>
      tpu.enqueue_dma source(%dma_start3A_145 : memref<100000xf32, #tpu.memory_space<hbm>>) target(%arg6 : memref<100000xf32, #tpu.memory_space<vmem>>) target_semaphore(%arg9 : memref<!tpu.dma_semaphore, #tpu.memory_space<semaphore_mem>>)
      %run_scoped3A = arith.constant 1 : i32
      "tpu.region"() ({
        %run_scoped3A_146 = tpu.sem_alloc : memref<!tpu.dma_semaphore, #tpu.memory_space<semaphore_mem>>
        %dma_start3A_147 = arith.constant 0 : i32
        %dma_start3A_148 = tpu.memref_slice %arg2[%run_scoped3A, %dma_start3A_147] : memref<2x16384xf32, #tpu.memory_space<hbm>> -> memref<1x16384xf32, #tpu.memory_space<hbm>>
        %dma_start3A_149 = tpu.memref_squeeze %dma_start3A_148 : memref<1x16384xf32, #tpu.memory_space<hbm>> -> memref<16384xf32, #tpu.memory_space<hbm>>
        %dma_start3A_150 = arith.constant 0 : i32
        %dma_start3A_151 = tpu.memref_slice %arg2[%run_scoped3A, %dma_start3A_150] : memref<2x16384xf32, #tpu.memory_space<hbm>> -> memref<1x16384xf32, #tpu.memory_space<hbm>>
        %dma_start3A_152 = tpu.memref_squeeze %dma_start3A_151 : memref<1x16384xf32, #tpu.memory_space<hbm>> -> memref<16384xf32, #tpu.memory_space<hbm>>
        tpu.enqueue_dma source(%dma_start3A_152 : memref<16384xf32, #tpu.memory_space<hbm>>) target(%arg7 : memref<16384xf32, #tpu.memory_space<vmem>>) target_semaphore(%run_scoped3A_146 : memref<!tpu.dma_semaphore, #tpu.memory_space<semaphore_mem>>)
        %dma_wait3A_153 = arith.constant 0 : i32
        %dma_wait3A_154 = tpu.memref_slice %arg2[%run_scoped3A, %dma_wait3A_153] : memref<2x16384xf32, #tpu.memory_space<hbm>> -> memref<1x16384xf32, #tpu.memory_space<hbm>>
        %dma_wait3A_155 = tpu.memref_squeeze %dma_wait3A_154 : memref<1x16384xf32, #tpu.memory_space<hbm>> -> memref<16384xf32, #tpu.memory_space<hbm>>
        %dma_wait3A_156 = arith.constant 0 : i32
        %dma_wait3A_157 = tpu.memref_slice %arg2[%run_scoped3A, %dma_wait3A_156] : memref<2x16384xf32, #tpu.memory_space<hbm>> -> memref<1x16384xf32, #tpu.memory_space<hbm>>
        %dma_wait3A_158 = tpu.memref_squeeze %dma_wait3A_157 : memref<1x16384xf32, #tpu.memory_space<hbm>> -> memref<16384xf32, #tpu.memory_space<hbm>>
        tpu.wait_dma2 semaphore(%run_scoped3A_146 : memref<!tpu.dma_semaphore, #tpu.memory_space<semaphore_mem>>) src(%dma_wait3A_158 : memref<16384xf32, #tpu.memory_space<hbm>>) dst(%arg7 : memref<16384xf32, #tpu.memory_space<vmem>>)
        tpu.yield
      }) : () -> ()
    } else {
    }
    %dma_wait3A = arith.constant 0 : i32
    %dma_wait3A_7 = arith.constant 0 : i32
    %dma_wait3A_8 = tpu.memref_slice %arg3[%dma_wait3A, %dma_wait3A_7] : memref<16x100000xf32, #tpu.memory_space<hbm>> -> memref<1x100000xf32, #tpu.memory_space<hbm>>
    %dma_wait3A_9 = tpu.memref_squeeze %dma_wait3A_8 : memref<1x100000xf32, #tpu.memory_space<hbm>> -> memref<100000xf32, #tpu.memory_space<hbm>>
    %dma_wait3A_10 = arith.constant 0 : i32
    %dma_wait3A_11 = tpu.memref_slice %arg3[%dma_wait3A, %dma_wait3A_10] : memref<16x100000xf32, #tpu.memory_space<hbm>> -> memref<1x100000xf32, #tpu.memory_space<hbm>>
    %dma_wait3A_12 = tpu.memref_squeeze %dma_wait3A_11 : memref<1x100000xf32, #tpu.memory_space<hbm>> -> memref<100000xf32, #tpu.memory_space<hbm>>
    tpu.wait_dma2 semaphore(%arg9 : memref<!tpu.dma_semaphore, #tpu.memory_space<semaphore_mem>>) src(%dma_wait3A_12 : memref<100000xf32, #tpu.memory_space<hbm>>) dst(%arg6 : memref<100000xf32, #tpu.memory_space<vmem>>)
    %mul3A = arith.constant 16 : i32
    %mul3A_13 = arith.muli %arg0, %mul3A : i32
    %add3A = arith.addi %mul3A_13, %arg1 : i32
    %scan3A = arith.constant 0 : i32
    %scan3A_14 = arith.constant 0 : i32
    %scan3A_15 = arith.constant 64 : i32
    %scan3A_16 = arith.addi %scan3A_14, %scan3A_15 : i32
    %scan3A_17 = arith.constant 1 : i32
    scf.for %scan3A_140 = %scan3A_14 to %scan3A_16 step %scan3A_17  : i32 {
      %mul3A_141 = arith.constant 4 : i32
      %mul3A_142 = arith.muli %mul3A_141, %scan3A_140 : i32
      %add3A_143 = arith.constant 0 : i32
      %add3A_144 = arith.addi %mul3A_142, %add3A_143 : i32
      %mul3A_145 = arith.constant 16 : i32
      %mul3A_146 = arith.muli %add3A_144, %mul3A_145 : i32
      %add3A_147 = arith.constant 0 : i32
      %add3A_148 = arith.addi %add3A_147, %mul3A_146 : i32
      %get3A = arith.index_cast %add3A_148 : i32 to index
      %get3A_149 = tpu.vector_load %arg7[%get3A] {strides = array<i32>} : memref<16384xf32, #tpu.memory_space<vmem>>, vector<16xf32>,
      %mul3A_150 = arith.constant 1.000000e+05 : f32
      %mul3A_151 = vector.broadcast %mul3A_150 : f32 to vector<16xf32>
      %mul3A_152 = arith.mulf %get3A_149, %mul3A_151 : vector<16xf32>
      %convert_element_type3A_153 = arith.fptosi %mul3A_152 : vector<16xf32> to vector<16xi32>
      %gather3A = tpu.vector_load_idx %arg6[%convert_element_type3A_153] : memref<100000xf32, #tpu.memory_space<vmem>>[vector<16xi32>], vector<16xf32>,
      %mul3A_154 = arith.constant 16 : i32
      %mul3A_155 = arith.muli %add3A_144, %mul3A_154 : i32
      %swap3A = arith.constant 0 : i32
      %swap3A_156 = arith.index_cast %swap3A : i32 to index
      %swap3A_157 = arith.index_cast %mul3A_155 : i32 to index
      %swap3A_158 = tpu.vector_load %arg8[%swap3A_156, %swap3A_157] {strides = array<i32>} : memref<2x4096xf32, #tpu.memory_space<vmem>>, vector<16xf32>,
      tpu.vector_store %arg8[%swap3A_156, %swap3A_157], %gather3A {strides = array<i32>} : memref<2x4096xf32, #tpu.memory_space<vmem>>, vector<16xf32>,
      %mul3A_159 = arith.constant 4 : i32
      %mul3A_160 = arith.muli %mul3A_159, %scan3A_140 : i32
      %add3A_161 = arith.constant 1 : i32
      %add3A_162 = arith.addi %mul3A_160, %add3A_161 : i32
      %mul3A_163 = arith.constant 16 : i32
      %mul3A_164 = arith.muli %add3A_162, %mul3A_163 : i32
      %add3A_165 = arith.constant 0 : i32
      %add3A_166 = arith.addi %add3A_165, %mul3A_164 : i32
      %get3A_167 = arith.index_cast %add3A_166 : i32 to index
      %get3A_168 = tpu.vector_load %arg7[%get3A_167] {strides = array<i32>} : memref<16384xf32, #tpu.memory_space<vmem>>, vector<16xf32>,
      %mul3A_169 = arith.constant 1.000000e+05 : f32
      %mul3A_170 = vector.broadcast %mul3A_169 : f32 to vector<16xf32>
      %mul3A_171 = arith.mulf %get3A_168, %mul3A_170 : vector<16xf32>
      %convert_element_type3A_172 = arith.fptosi %mul3A_171 : vector<16xf32> to vector<16xi32>
      %gather3A_173 = tpu.vector_load_idx %arg6[%convert_element_type3A_172] : memref<100000xf32, #tpu.memory_space<vmem>>[vector<16xi32>], vector<16xf32>,
      %mul3A_174 = arith.constant 16 : i32
      %mul3A_175 = arith.muli %add3A_162, %mul3A_174 : i32
      %swap3A_176 = arith.constant 0 : i32
      %swap3A_177 = arith.index_cast %swap3A_176 : i32 to index
      %swap3A_178 = arith.index_cast %mul3A_175 : i32 to index
      %swap3A_179 = tpu.vector_load %arg8[%swap3A_177, %swap3A_178] {strides = array<i32>} : memref<2x4096xf32, #tpu.memory_space<vmem>>, vector<16xf32>,
      tpu.vector_store %arg8[%swap3A_177, %swap3A_178], %gather3A_173 {strides = array<i32>} : memref<2x4096xf32, #tpu.memory_space<vmem>>, vector<16xf32>,
      %mul3A_180 = arith.constant 4 : i32
      %mul3A_181 = arith.muli %mul3A_180, %scan3A_140 : i32
      %add3A_182 = arith.constant 2 : i32
      %add3A_183 = arith.addi %mul3A_181, %add3A_182 : i32
      %mul3A_184 = arith.constant 16 : i32
      %mul3A_185 = arith.muli %add3A_183, %mul3A_184 : i32
      %add3A_186 = arith.constant 0 : i32
      %add3A_187 = arith.addi %add3A_186, %mul3A_185 : i32
      %get3A_188 = arith.index_cast %add3A_187 : i32 to index
      %get3A_189 = tpu.vector_load %arg7[%get3A_188] {strides = array<i32>} : memref<16384xf32, #tpu.memory_space<vmem>>, vector<16xf32>,
      %mul3A_190 = arith.constant 1.000000e+05 : f32
      %mul3A_191 = vector.broadcast %mul3A_190 : f32 to vector<16xf32>
      %mul3A_192 = arith.mulf %get3A_189, %mul3A_191 : vector<16xf32>
      %convert_element_type3A_193 = arith.fptosi %mul3A_192 : vector<16xf32> to vector<16xi32>
      %gather3A_194 = tpu.vector_load_idx %arg6[%convert_element_type3A_193] : memref<100000xf32, #tpu.memory_space<vmem>>[vector<16xi32>], vector<16xf32>,
      %mul3A_195 = arith.constant 16 : i32
      %mul3A_196 = arith.muli %add3A_183, %mul3A_195 : i32
      %swap3A_197 = arith.constant 0 : i32
      %swap3A_198 = arith.index_cast %swap3A_197 : i32 to index
      %swap3A_199 = arith.index_cast %mul3A_196 : i32 to index
      %swap3A_200 = tpu.vector_load %arg8[%swap3A_198, %swap3A_199] {strides = array<i32>} : memref<2x4096xf32, #tpu.memory_space<vmem>>, vector<16xf32>,
      tpu.vector_store %arg8[%swap3A_198, %swap3A_199], %gather3A_194 {strides = array<i32>} : memref<2x4096xf32, #tpu.memory_space<vmem>>, vector<16xf32>,
      %mul3A_201 = arith.constant 4 : i32
      %mul3A_202 = arith.muli %mul3A_201, %scan3A_140 : i32
      %add3A_203 = arith.constant 3 : i32
      %add3A_204 = arith.addi %mul3A_202, %add3A_203 : i32
      %mul3A_205 = arith.constant 16 : i32
      %mul3A_206 = arith.muli %add3A_204, %mul3A_205 : i32
      %add3A_207 = arith.constant 0 : i32
      %add3A_208 = arith.addi %add3A_207, %mul3A_206 : i32
      %get3A_209 = arith.index_cast %add3A_208 : i32 to index
      %get3A_210 = tpu.vector_load %arg7[%get3A_209] {strides = array<i32>} : memref<16384xf32, #tpu.memory_space<vmem>>, vector<16xf32>,
      %mul3A_211 = arith.constant 1.000000e+05 : f32
      %mul3A_212 = vector.broadcast %mul3A_211 : f32 to vector<16xf32>
      %mul3A_213 = arith.mulf %get3A_210, %mul3A_212 : vector<16xf32>
      %convert_element_type3A_214 = arith.fptosi %mul3A_213 : vector<16xf32> to vector<16xi32>
      %gather3A_215 = tpu.vector_load_idx %arg6[%convert_element_type3A_214] : memref<100000xf32, #tpu.memory_space<vmem>>[vector<16xi32>], vector<16xf32>,
      %mul3A_216 = arith.constant 16 : i32
      %mul3A_217 = arith.muli %add3A_204, %mul3A_216 : i32
      %swap3A_218 = arith.constant 0 : i32
      %swap3A_219 = arith.index_cast %swap3A_218 : i32 to index
      %swap3A_220 = arith.index_cast %mul3A_217 : i32 to index
      %swap3A_221 = tpu.vector_load %arg8[%swap3A_219, %swap3A_220] {strides = array<i32>} : memref<2x4096xf32, #tpu.memory_space<vmem>>, vector<16xf32>,
      tpu.vector_store %arg8[%swap3A_219, %swap3A_220], %gather3A_215 {strides = array<i32>} : memref<2x4096xf32, #tpu.memory_space<vmem>>, vector<16xf32>,
    }
    %scan3A_18 = arith.constant 64 : i32
    %dma_start3A = arith.constant 0 : i32
    %dma_start3A_19 = arith.constant 0 : i32
    %dma_start3A_20 = tpu.memref_slice %arg8[%dma_start3A, %dma_start3A_19] : memref<2x4096xf32, #tpu.memory_space<vmem>> -> memref<1x4096xf32, #tpu.memory_space<vmem>>
    %dma_start3A_21 = tpu.memref_squeeze %dma_start3A_20 : memref<1x4096xf32, #tpu.memory_space<vmem>> -> memref<4096xf32, #tpu.memory_space<vmem>>
    %dma_start3A_22 = arith.constant 0 : i32
    %dma_start3A_23 = tpu.memref_slice %arg5[%add3A, %dma_start3A_22] : memref<32x16384xf32, #tpu.memory_space<hbm>> -> memref<1x4096xf32, #tpu.memory_space<hbm>>
    %dma_start3A_24 = tpu.memref_squeeze %dma_start3A_23 : memref<1x4096xf32, #tpu.memory_space<hbm>> -> memref<4096xf32, #tpu.memory_space<hbm>>
    %dma_start3A_25 = arith.constant 0 : i32
    %dma_start3A_26 = tpu.memref_slice %arg5[%add3A, %dma_start3A_25] : memref<32x16384xf32, #tpu.memory_space<hbm>> -> memref<1x4096xf32, #tpu.memory_space<hbm>>
    %dma_start3A_27 = tpu.memref_squeeze %dma_start3A_26 : memref<1x4096xf32, #tpu.memory_space<hbm>> -> memref<4096xf32, #tpu.memory_space<hbm>>
    %dma_start3A_28 = arith.constant 0 : i32
    %dma_start3A_29 = tpu.memref_slice %arg8[%dma_start3A, %dma_start3A_28] : memref<2x4096xf32, #tpu.memory_space<vmem>> -> memref<1x4096xf32, #tpu.memory_space<vmem>>
    %dma_start3A_30 = tpu.memref_squeeze %dma_start3A_29 : memref<1x4096xf32, #tpu.memory_space<vmem>> -> memref<4096xf32, #tpu.memory_space<vmem>>
    tpu.enqueue_dma source(%dma_start3A_30 : memref<4096xf32, #tpu.memory_space<vmem>>) target(%dma_start3A_27 : memref<4096xf32, #tpu.memory_space<hbm>>) target_semaphore(%arg10 : memref<!tpu.dma_semaphore, #tpu.memory_space<semaphore_mem>>)
    %scan3A_31 = arith.constant 0 : i32
    %scan3A_32 = arith.constant 0 : i32
    %scan3A_33 = arith.constant 64 : i32
    %scan3A_34 = arith.addi %scan3A_32, %scan3A_33 : i32
    %scan3A_35 = arith.constant 1 : i32
    scf.for %scan3A_140 = %scan3A_32 to %scan3A_34 step %scan3A_35  : i32 {
      %mul3A_141 = arith.constant 4 : i32
      %mul3A_142 = arith.muli %mul3A_141, %scan3A_140 : i32
      %add3A_143 = arith.constant 0 : i32
      %add3A_144 = arith.addi %mul3A_142, %add3A_143 : i32
      %mul3A_145 = arith.constant 16 : i32
      %mul3A_146 = arith.muli %add3A_144, %mul3A_145 : i32
      %add3A_147 = arith.constant 4096 : i32
      %add3A_148 = arith.addi %add3A_147, %mul3A_146 : i32
      %get3A = arith.index_cast %add3A_148 : i32 to index
      %get3A_149 = tpu.vector_load %arg7[%get3A] {strides = array<i32>} : memref<16384xf32, #tpu.memory_space<vmem>>, vector<16xf32>,
      %mul3A_150 = arith.constant 1.000000e+05 : f32
      %mul3A_151 = vector.broadcast %mul3A_150 : f32 to vector<16xf32>
      %mul3A_152 = arith.mulf %get3A_149, %mul3A_151 : vector<16xf32>
      %convert_element_type3A_153 = arith.fptosi %mul3A_152 : vector<16xf32> to vector<16xi32>
      %gather3A = tpu.vector_load_idx %arg6[%convert_element_type3A_153] : memref<100000xf32, #tpu.memory_space<vmem>>[vector<16xi32>], vector<16xf32>,
      %mul3A_154 = arith.constant 16 : i32
      %mul3A_155 = arith.muli %add3A_144, %mul3A_154 : i32
      %swap3A = arith.constant 1 : i32
      %swap3A_156 = arith.index_cast %swap3A : i32 to index
      %swap3A_157 = arith.index_cast %mul3A_155 : i32 to index
      %swap3A_158 = tpu.vector_load %arg8[%swap3A_156, %swap3A_157] {strides = array<i32>} : memref<2x4096xf32, #tpu.memory_space<vmem>>, vector<16xf32>,
      tpu.vector_store %arg8[%swap3A_156, %swap3A_157], %gather3A {strides = array<i32>} : memref<2x4096xf32, #tpu.memory_space<vmem>>, vector<16xf32>,
      %mul3A_159 = arith.constant 4 : i32
      %mul3A_160 = arith.muli %mul3A_159, %scan3A_140 : i32
      %add3A_161 = arith.constant 1 : i32
      %add3A_162 = arith.addi %mul3A_160, %add3A_161 : i32
      %mul3A_163 = arith.constant 16 : i32
      %mul3A_164 = arith.muli %add3A_162, %mul3A_163 : i32
      %add3A_165 = arith.constant 4096 : i32
      %add3A_166 = arith.addi %add3A_165, %mul3A_164 : i32
      %get3A_167 = arith.index_cast %add3A_166 : i32 to index
      %get3A_168 = tpu.vector_load %arg7[%get3A_167] {strides = array<i32>} : memref<16384xf32, #tpu.memory_space<vmem>>, vector<16xf32>,
      %mul3A_169 = arith.constant 1.000000e+05 : f32
      %mul3A_170 = vector.broadcast %mul3A_169 : f32 to vector<16xf32>
      %mul3A_171 = arith.mulf %get3A_168, %mul3A_170 : vector<16xf32>
      %convert_element_type3A_172 = arith.fptosi %mul3A_171 : vector<16xf32> to vector<16xi32>
      %gather3A_173 = tpu.vector_load_idx %arg6[%convert_element_type3A_172] : memref<100000xf32, #tpu.memory_space<vmem>>[vector<16xi32>], vector<16xf32>,
      %mul3A_174 = arith.constant 16 : i32
      %mul3A_175 = arith.muli %add3A_162, %mul3A_174 : i32
      %swap3A_176 = arith.constant 1 : i32
      %swap3A_177 = arith.index_cast %swap3A_176 : i32 to index
      %swap3A_178 = arith.index_cast %mul3A_175 : i32 to index
      %swap3A_179 = tpu.vector_load %arg8[%swap3A_177, %swap3A_178] {strides = array<i32>} : memref<2x4096xf32, #tpu.memory_space<vmem>>, vector<16xf32>,
      tpu.vector_store %arg8[%swap3A_177, %swap3A_178], %gather3A_173 {strides = array<i32>} : memref<2x4096xf32, #tpu.memory_space<vmem>>, vector<16xf32>,
      %mul3A_180 = arith.constant 4 : i32
      %mul3A_181 = arith.muli %mul3A_180, %scan3A_140 : i32
      %add3A_182 = arith.constant 2 : i32
      %add3A_183 = arith.addi %mul3A_181, %add3A_182 : i32
      %mul3A_184 = arith.constant 16 : i32
      %mul3A_185 = arith.muli %add3A_183, %mul3A_184 : i32
      %add3A_186 = arith.constant 4096 : i32
      %add3A_187 = arith.addi %add3A_186, %mul3A_185 : i32
      %get3A_188 = arith.index_cast %add3A_187 : i32 to index
      %get3A_189 = tpu.vector_load %arg7[%get3A_188] {strides = array<i32>} : memref<16384xf32, #tpu.memory_space<vmem>>, vector<16xf32>,
      %mul3A_190 = arith.constant 1.000000e+05 : f32
      %mul3A_191 = vector.broadcast %mul3A_190 : f32 to vector<16xf32>
      %mul3A_192 = arith.mulf %get3A_189, %mul3A_191 : vector<16xf32>
      %convert_element_type3A_193 = arith.fptosi %mul3A_192 : vector<16xf32> to vector<16xi32>
      %gather3A_194 = tpu.vector_load_idx %arg6[%convert_element_type3A_193] : memref<100000xf32, #tpu.memory_space<vmem>>[vector<16xi32>], vector<16xf32>,
      %mul3A_195 = arith.constant 16 : i32
      %mul3A_196 = arith.muli %add3A_183, %mul3A_195 : i32
      %swap3A_197 = arith.constant 1 : i32
      %swap3A_198 = arith.index_cast %swap3A_197 : i32 to index
      %swap3A_199 = arith.index_cast %mul3A_196 : i32 to index
      %swap3A_200 = tpu.vector_load %arg8[%swap3A_198, %swap3A_199] {strides = array<i32>} : memref<2x4096xf32, #tpu.memory_space<vmem>>, vector<16xf32>,
      tpu.vector_store %arg8[%swap3A_198, %swap3A_199], %gather3A_194 {strides = array<i32>} : memref<2x4096xf32, #tpu.memory_space<vmem>>, vector<16xf32>,
      %mul3A_201 = arith.constant 4 : i32
      %mul3A_202 = arith.muli %mul3A_201, %scan3A_140 : i32
      %add3A_203 = arith.constant 3 : i32
      %add3A_204 = arith.addi %mul3A_202, %add3A_203 : i32
      %mul3A_205 = arith.constant 16 : i32
      %mul3A_206 = arith.muli %add3A_204, %mul3A_205 : i32
      %add3A_207 = arith.constant 4096 : i32
      %add3A_208 = arith.addi %add3A_207, %mul3A_206 : i32
      %get3A_209 = arith.index_cast %add3A_208 : i32 to index
      %get3A_210 = tpu.vector_load %arg7[%get3A_209] {strides = array<i32>} : memref<16384xf32, #tpu.memory_space<vmem>>, vector<16xf32>,
      %mul3A_211 = arith.constant 1.000000e+05 : f32
      %mul3A_212 = vector.broadcast %mul3A_211 : f32 to vector<16xf32>
      %mul3A_213 = arith.mulf %get3A_210, %mul3A_212 : vector<16xf32>
      %convert_element_type3A_214 = arith.fptosi %mul3A_213 : vector<16xf32> to vector<16xi32>
      %gather3A_215 = tpu.vector_load_idx %arg6[%convert_element_type3A_214] : memref<100000xf32, #tpu.memory_space<vmem>>[vector<16xi32>], vector<16xf32>,
      %mul3A_216 = arith.constant 16 : i32
      %mul3A_217 = arith.muli %add3A_204, %mul3A_216 : i32
      %swap3A_218 = arith.constant 1 : i32
      %swap3A_219 = arith.index_cast %swap3A_218 : i32 to index
      %swap3A_220 = arith.index_cast %mul3A_217 : i32 to index
      %swap3A_221 = tpu.vector_load %arg8[%swap3A_219, %swap3A_220] {strides = array<i32>} : memref<2x4096xf32, #tpu.memory_space<vmem>>, vector<16xf32>,
      tpu.vector_store %arg8[%swap3A_219, %swap3A_220], %gather3A_215 {strides = array<i32>} : memref<2x4096xf32, #tpu.memory_space<vmem>>, vector<16xf32>,
    }
    %scan3A_36 = arith.constant 64 : i32
    %dma_start3A_37 = arith.constant 1 : i32
    %dma_start3A_38 = arith.constant 0 : i32
    %dma_start3A_39 = tpu.memref_slice %arg8[%dma_start3A_37, %dma_start3A_38] : memref<2x4096xf32, #tpu.memory_space<vmem>> -> memref<1x4096xf32, #tpu.memory_space<vmem>>
    %dma_start3A_40 = tpu.memref_squeeze %dma_start3A_39 : memref<1x4096xf32, #tpu.memory_space<vmem>> -> memref<4096xf32, #tpu.memory_space<vmem>>
    %dma_start3A_41 = arith.constant 4096 : i32
    %dma_start3A_42 = tpu.memref_slice %arg5[%add3A, %dma_start3A_41] : memref<32x16384xf32, #tpu.memory_space<hbm>> -> memref<1x4096xf32, #tpu.memory_space<hbm>>
    %dma_start3A_43 = tpu.memref_squeeze %dma_start3A_42 : memref<1x4096xf32, #tpu.memory_space<hbm>> -> memref<4096xf32, #tpu.memory_space<hbm>>
    %dma_start3A_44 = arith.constant 4096 : i32
    %dma_start3A_45 = tpu.memref_slice %arg5[%add3A, %dma_start3A_44] : memref<32x16384xf32, #tpu.memory_space<hbm>> -> memref<1x4096xf32, #tpu.memory_space<hbm>>
    %dma_start3A_46 = tpu.memref_squeeze %dma_start3A_45 : memref<1x4096xf32, #tpu.memory_space<hbm>> -> memref<4096xf32, #tpu.memory_space<hbm>>
    %dma_start3A_47 = arith.constant 0 : i32
    %dma_start3A_48 = tpu.memref_slice %arg8[%dma_start3A_37, %dma_start3A_47] : memref<2x4096xf32, #tpu.memory_space<vmem>> -> memref<1x4096xf32, #tpu.memory_space<vmem>>
    %dma_start3A_49 = tpu.memref_squeeze %dma_start3A_48 : memref<1x4096xf32, #tpu.memory_space<vmem>> -> memref<4096xf32, #tpu.memory_space<vmem>>
    tpu.enqueue_dma source(%dma_start3A_49 : memref<4096xf32, #tpu.memory_space<vmem>>) target(%dma_start3A_46 : memref<4096xf32, #tpu.memory_space<hbm>>) target_semaphore(%arg10 : memref<!tpu.dma_semaphore, #tpu.memory_space<semaphore_mem>>)
    %dma_wait3A_50 = arith.constant 0 : i32
    %dma_wait3A_51 = arith.constant 0 : i32
    %dma_wait3A_52 = tpu.memref_slice %arg8[%dma_wait3A_50, %dma_wait3A_51] : memref<2x4096xf32, #tpu.memory_space<vmem>> -> memref<1x4096xf32, #tpu.memory_space<vmem>>
    %dma_wait3A_53 = tpu.memref_squeeze %dma_wait3A_52 : memref<1x4096xf32, #tpu.memory_space<vmem>> -> memref<4096xf32, #tpu.memory_space<vmem>>
    %dma_wait3A_54 = arith.constant 0 : i32
    %dma_wait3A_55 = tpu.memref_slice %arg5[%add3A, %dma_wait3A_54] : memref<32x16384xf32, #tpu.memory_space<hbm>> -> memref<1x4096xf32, #tpu.memory_space<hbm>>
    %dma_wait3A_56 = tpu.memref_squeeze %dma_wait3A_55 : memref<1x4096xf32, #tpu.memory_space<hbm>> -> memref<4096xf32, #tpu.memory_space<hbm>>
    %dma_wait3A_57 = arith.constant 0 : i32
    %dma_wait3A_58 = tpu.memref_slice %arg5[%add3A, %dma_wait3A_57] : memref<32x16384xf32, #tpu.memory_space<hbm>> -> memref<1x4096xf32, #tpu.memory_space<hbm>>
    %dma_wait3A_59 = tpu.memref_squeeze %dma_wait3A_58 : memref<1x4096xf32, #tpu.memory_space<hbm>> -> memref<4096xf32, #tpu.memory_space<hbm>>
    %dma_wait3A_60 = arith.constant 0 : i32
    %dma_wait3A_61 = tpu.memref_slice %arg8[%dma_wait3A_50, %dma_wait3A_60] : memref<2x4096xf32, #tpu.memory_space<vmem>> -> memref<1x4096xf32, #tpu.memory_space<vmem>>
    %dma_wait3A_62 = tpu.memref_squeeze %dma_wait3A_61 : memref<1x4096xf32, #tpu.memory_space<vmem>> -> memref<4096xf32, #tpu.memory_space<vmem>>
    tpu.wait_dma2 semaphore(%arg10 : memref<!tpu.dma_semaphore, #tpu.memory_space<semaphore_mem>>) src(%dma_wait3A_62 : memref<4096xf32, #tpu.memory_space<vmem>>) dst(%dma_wait3A_59 : memref<4096xf32, #tpu.memory_space<hbm>>)
    %scan3A_63 = arith.constant 0 : i32
    %scan3A_64 = arith.constant 0 : i32
    %scan3A_65 = arith.constant 64 : i32
    %scan3A_66 = arith.addi %scan3A_64, %scan3A_65 : i32
    %scan3A_67 = arith.constant 1 : i32
    scf.for %scan3A_140 = %scan3A_64 to %scan3A_66 step %scan3A_67  : i32 {
      %mul3A_141 = arith.constant 4 : i32
      %mul3A_142 = arith.muli %mul3A_141, %scan3A_140 : i32
      %add3A_143 = arith.constant 0 : i32
      %add3A_144 = arith.addi %mul3A_142, %add3A_143 : i32
      %mul3A_145 = arith.constant 16 : i32
      %mul3A_146 = arith.muli %add3A_144, %mul3A_145 : i32
      %add3A_147 = arith.constant 8192 : i32
      %add3A_148 = arith.addi %add3A_147, %mul3A_146 : i32
      %get3A = arith.index_cast %add3A_148 : i32 to index
      %get3A_149 = tpu.vector_load %arg7[%get3A] {strides = array<i32>} : memref<16384xf32, #tpu.memory_space<vmem>>, vector<16xf32>,
      %mul3A_150 = arith.constant 1.000000e+05 : f32
      %mul3A_151 = vector.broadcast %mul3A_150 : f32 to vector<16xf32>
      %mul3A_152 = arith.mulf %get3A_149, %mul3A_151 : vector<16xf32>
      %convert_element_type3A_153 = arith.fptosi %mul3A_152 : vector<16xf32> to vector<16xi32>
      %gather3A = tpu.vector_load_idx %arg6[%convert_element_type3A_153] : memref<100000xf32, #tpu.memory_space<vmem>>[vector<16xi32>], vector<16xf32>,
      %mul3A_154 = arith.constant 16 : i32
      %mul3A_155 = arith.muli %add3A_144, %mul3A_154 : i32
      %swap3A = arith.constant 0 : i32
      %swap3A_156 = arith.index_cast %swap3A : i32 to index
      %swap3A_157 = arith.index_cast %mul3A_155 : i32 to index
      %swap3A_158 = tpu.vector_load %arg8[%swap3A_156, %swap3A_157] {strides = array<i32>} : memref<2x4096xf32, #tpu.memory_space<vmem>>, vector<16xf32>,
      tpu.vector_store %arg8[%swap3A_156, %swap3A_157], %gather3A {strides = array<i32>} : memref<2x4096xf32, #tpu.memory_space<vmem>>, vector<16xf32>,
      %mul3A_159 = arith.constant 4 : i32
      %mul3A_160 = arith.muli %mul3A_159, %scan3A_140 : i32
      %add3A_161 = arith.constant 1 : i32
      %add3A_162 = arith.addi %mul3A_160, %add3A_161 : i32
      %mul3A_163 = arith.constant 16 : i32
      %mul3A_164 = arith.muli %add3A_162, %mul3A_163 : i32
      %add3A_165 = arith.constant 8192 : i32
      %add3A_166 = arith.addi %add3A_165, %mul3A_164 : i32
      %get3A_167 = arith.index_cast %add3A_166 : i32 to index
      %get3A_168 = tpu.vector_load %arg7[%get3A_167] {strides = array<i32>} : memref<16384xf32, #tpu.memory_space<vmem>>, vector<16xf32>,
      %mul3A_169 = arith.constant 1.000000e+05 : f32
      %mul3A_170 = vector.broadcast %mul3A_169 : f32 to vector<16xf32>
      %mul3A_171 = arith.mulf %get3A_168, %mul3A_170 : vector<16xf32>
      %convert_element_type3A_172 = arith.fptosi %mul3A_171 : vector<16xf32> to vector<16xi32>
      %gather3A_173 = tpu.vector_load_idx %arg6[%convert_element_type3A_172] : memref<100000xf32, #tpu.memory_space<vmem>>[vector<16xi32>], vector<16xf32>,
      %mul3A_174 = arith.constant 16 : i32
      %mul3A_175 = arith.muli %add3A_162, %mul3A_174 : i32
      %swap3A_176 = arith.constant 0 : i32
      %swap3A_177 = arith.index_cast %swap3A_176 : i32 to index
      %swap3A_178 = arith.index_cast %mul3A_175 : i32 to index
      %swap3A_179 = tpu.vector_load %arg8[%swap3A_177, %swap3A_178] {strides = array<i32>} : memref<2x4096xf32, #tpu.memory_space<vmem>>, vector<16xf32>,
      tpu.vector_store %arg8[%swap3A_177, %swap3A_178], %gather3A_173 {strides = array<i32>} : memref<2x4096xf32, #tpu.memory_space<vmem>>, vector<16xf32>,
      %mul3A_180 = arith.constant 4 : i32
      %mul3A_181 = arith.muli %mul3A_180, %scan3A_140 : i32
      %add3A_182 = arith.constant 2 : i32
      %add3A_183 = arith.addi %mul3A_181, %add3A_182 : i32
      %mul3A_184 = arith.constant 16 : i32
      %mul3A_185 = arith.muli %add3A_183, %mul3A_184 : i32
      %add3A_186 = arith.constant 8192 : i32
      %add3A_187 = arith.addi %add3A_186, %mul3A_185 : i32
      %get3A_188 = arith.index_cast %add3A_187 : i32 to index
      %get3A_189 = tpu.vector_load %arg7[%get3A_188] {strides = array<i32>} : memref<16384xf32, #tpu.memory_space<vmem>>, vector<16xf32>,
      %mul3A_190 = arith.constant 1.000000e+05 : f32
      %mul3A_191 = vector.broadcast %mul3A_190 : f32 to vector<16xf32>
      %mul3A_192 = arith.mulf %get3A_189, %mul3A_191 : vector<16xf32>
      %convert_element_type3A_193 = arith.fptosi %mul3A_192 : vector<16xf32> to vector<16xi32>
      %gather3A_194 = tpu.vector_load_idx %arg6[%convert_element_type3A_193] : memref<100000xf32, #tpu.memory_space<vmem>>[vector<16xi32>], vector<16xf32>,
      %mul3A_195 = arith.constant 16 : i32
      %mul3A_196 = arith.muli %add3A_183, %mul3A_195 : i32
      %swap3A_197 = arith.constant 0 : i32
      %swap3A_198 = arith.index_cast %swap3A_197 : i32 to index
      %swap3A_199 = arith.index_cast %mul3A_196 : i32 to index
      %swap3A_200 = tpu.vector_load %arg8[%swap3A_198, %swap3A_199] {strides = array<i32>} : memref<2x4096xf32, #tpu.memory_space<vmem>>, vector<16xf32>,
      tpu.vector_store %arg8[%swap3A_198, %swap3A_199], %gather3A_194 {strides = array<i32>} : memref<2x4096xf32, #tpu.memory_space<vmem>>, vector<16xf32>,
      %mul3A_201 = arith.constant 4 : i32
      %mul3A_202 = arith.muli %mul3A_201, %scan3A_140 : i32
      %add3A_203 = arith.constant 3 : i32
      %add3A_204 = arith.addi %mul3A_202, %add3A_203 : i32
      %mul3A_205 = arith.constant 16 : i32
      %mul3A_206 = arith.muli %add3A_204, %mul3A_205 : i32
      %add3A_207 = arith.constant 8192 : i32
      %add3A_208 = arith.addi %add3A_207, %mul3A_206 : i32
      %get3A_209 = arith.index_cast %add3A_208 : i32 to index
      %get3A_210 = tpu.vector_load %arg7[%get3A_209] {strides = array<i32>} : memref<16384xf32, #tpu.memory_space<vmem>>, vector<16xf32>,
      %mul3A_211 = arith.constant 1.000000e+05 : f32
      %mul3A_212 = vector.broadcast %mul3A_211 : f32 to vector<16xf32>
      %mul3A_213 = arith.mulf %get3A_210, %mul3A_212 : vector<16xf32>
      %convert_element_type3A_214 = arith.fptosi %mul3A_213 : vector<16xf32> to vector<16xi32>
      %gather3A_215 = tpu.vector_load_idx %arg6[%convert_element_type3A_214] : memref<100000xf32, #tpu.memory_space<vmem>>[vector<16xi32>], vector<16xf32>,
      %mul3A_216 = arith.constant 16 : i32
      %mul3A_217 = arith.muli %add3A_204, %mul3A_216 : i32
      %swap3A_218 = arith.constant 0 : i32
      %swap3A_219 = arith.index_cast %swap3A_218 : i32 to index
      %swap3A_220 = arith.index_cast %mul3A_217 : i32 to index
      %swap3A_221 = tpu.vector_load %arg8[%swap3A_219, %swap3A_220] {strides = array<i32>} : memref<2x4096xf32, #tpu.memory_space<vmem>>, vector<16xf32>,
      tpu.vector_store %arg8[%swap3A_219, %swap3A_220], %gather3A_215 {strides = array<i32>} : memref<2x4096xf32, #tpu.memory_space<vmem>>, vector<16xf32>,
    }
    %scan3A_68 = arith.constant 64 : i32
    %dma_start3A_69 = arith.constant 0 : i32
    %dma_start3A_70 = arith.constant 0 : i32
    %dma_start3A_71 = tpu.memref_slice %arg8[%dma_start3A_69, %dma_start3A_70] : memref<2x4096xf32, #tpu.memory_space<vmem>> -> memref<1x4096xf32, #tpu.memory_space<vmem>>
    %dma_start3A_72 = tpu.memref_squeeze %dma_start3A_71 : memref<1x4096xf32, #tpu.memory_space<vmem>> -> memref<4096xf32, #tpu.memory_space<vmem>>
    %dma_start3A_73 = arith.constant 8192 : i32
    %dma_start3A_74 = tpu.memref_slice %arg5[%add3A, %dma_start3A_73] : memref<32x16384xf32, #tpu.memory_space<hbm>> -> memref<1x4096xf32, #tpu.memory_space<hbm>>
    %dma_start3A_75 = tpu.memref_squeeze %dma_start3A_74 : memref<1x4096xf32, #tpu.memory_space<hbm>> -> memref<4096xf32, #tpu.memory_space<hbm>>
    %dma_start3A_76 = arith.constant 8192 : i32
    %dma_start3A_77 = tpu.memref_slice %arg5[%add3A, %dma_start3A_76] : memref<32x16384xf32, #tpu.memory_space<hbm>> -> memref<1x4096xf32, #tpu.memory_space<hbm>>
    %dma_start3A_78 = tpu.memref_squeeze %dma_start3A_77 : memref<1x4096xf32, #tpu.memory_space<hbm>> -> memref<4096xf32, #tpu.memory_space<hbm>>
    %dma_start3A_79 = arith.constant 0 : i32
    %dma_start3A_80 = tpu.memref_slice %arg8[%dma_start3A_69, %dma_start3A_79] : memref<2x4096xf32, #tpu.memory_space<vmem>> -> memref<1x4096xf32, #tpu.memory_space<vmem>>
    %dma_start3A_81 = tpu.memref_squeeze %dma_start3A_80 : memref<1x4096xf32, #tpu.memory_space<vmem>> -> memref<4096xf32, #tpu.memory_space<vmem>>
    tpu.enqueue_dma source(%dma_start3A_81 : memref<4096xf32, #tpu.memory_space<vmem>>) target(%dma_start3A_78 : memref<4096xf32, #tpu.memory_space<hbm>>) target_semaphore(%arg10 : memref<!tpu.dma_semaphore, #tpu.memory_space<semaphore_mem>>)
    %dma_wait3A_82 = arith.constant 1 : i32
    %dma_wait3A_83 = arith.constant 0 : i32
    %dma_wait3A_84 = tpu.memref_slice %arg8[%dma_wait3A_82, %dma_wait3A_83] : memref<2x4096xf32, #tpu.memory_space<vmem>> -> memref<1x4096xf32, #tpu.memory_space<vmem>>
    %dma_wait3A_85 = tpu.memref_squeeze %dma_wait3A_84 : memref<1x4096xf32, #tpu.memory_space<vmem>> -> memref<4096xf32, #tpu.memory_space<vmem>>
    %dma_wait3A_86 = arith.constant 4096 : i32
    %dma_wait3A_87 = tpu.memref_slice %arg5[%add3A, %dma_wait3A_86] : memref<32x16384xf32, #tpu.memory_space<hbm>> -> memref<1x4096xf32, #tpu.memory_space<hbm>>
    %dma_wait3A_88 = tpu.memref_squeeze %dma_wait3A_87 : memref<1x4096xf32, #tpu.memory_space<hbm>> -> memref<4096xf32, #tpu.memory_space<hbm>>
    %dma_wait3A_89 = arith.constant 4096 : i32
    %dma_wait3A_90 = tpu.memref_slice %arg5[%add3A, %dma_wait3A_89] : memref<32x16384xf32, #tpu.memory_space<hbm>> -> memref<1x4096xf32, #tpu.memory_space<hbm>>
    %dma_wait3A_91 = tpu.memref_squeeze %dma_wait3A_90 : memref<1x4096xf32, #tpu.memory_space<hbm>> -> memref<4096xf32, #tpu.memory_space<hbm>>
    %dma_wait3A_92 = arith.constant 0 : i32
    %dma_wait3A_93 = tpu.memref_slice %arg8[%dma_wait3A_82, %dma_wait3A_92] : memref<2x4096xf32, #tpu.memory_space<vmem>> -> memref<1x4096xf32, #tpu.memory_space<vmem>>
    %dma_wait3A_94 = tpu.memref_squeeze %dma_wait3A_93 : memref<1x4096xf32, #tpu.memory_space<vmem>> -> memref<4096xf32, #tpu.memory_space<vmem>>
    tpu.wait_dma2 semaphore(%arg10 : memref<!tpu.dma_semaphore, #tpu.memory_space<semaphore_mem>>) src(%dma_wait3A_94 : memref<4096xf32, #tpu.memory_space<vmem>>) dst(%dma_wait3A_91 : memref<4096xf32, #tpu.memory_space<hbm>>)
    %scan3A_95 = arith.constant 0 : i32
    %scan3A_96 = arith.constant 0 : i32
    %scan3A_97 = arith.constant 64 : i32
    %scan3A_98 = arith.addi %scan3A_96, %scan3A_97 : i32
    %scan3A_99 = arith.constant 1 : i32
    scf.for %scan3A_140 = %scan3A_96 to %scan3A_98 step %scan3A_99  : i32 {
      %mul3A_141 = arith.constant 4 : i32
      %mul3A_142 = arith.muli %mul3A_141, %scan3A_140 : i32
      %add3A_143 = arith.constant 0 : i32
      %add3A_144 = arith.addi %mul3A_142, %add3A_143 : i32
      %mul3A_145 = arith.constant 16 : i32
      %mul3A_146 = arith.muli %add3A_144, %mul3A_145 : i32
      %add3A_147 = arith.constant 12288 : i32
      %add3A_148 = arith.addi %add3A_147, %mul3A_146 : i32
      %get3A = arith.index_cast %add3A_148 : i32 to index
      %get3A_149 = tpu.vector_load %arg7[%get3A] {strides = array<i32>} : memref<16384xf32, #tpu.memory_space<vmem>>, vector<16xf32>,
      %mul3A_150 = arith.constant 1.000000e+05 : f32
      %mul3A_151 = vector.broadcast %mul3A_150 : f32 to vector<16xf32>
      %mul3A_152 = arith.mulf %get3A_149, %mul3A_151 : vector<16xf32>
      %convert_element_type3A_153 = arith.fptosi %mul3A_152 : vector<16xf32> to vector<16xi32>
      %gather3A = tpu.vector_load_idx %arg6[%convert_element_type3A_153] : memref<100000xf32, #tpu.memory_space<vmem>>[vector<16xi32>], vector<16xf32>,
      %mul3A_154 = arith.constant 16 : i32
      %mul3A_155 = arith.muli %add3A_144, %mul3A_154 : i32
      %swap3A = arith.constant 1 : i32
      %swap3A_156 = arith.index_cast %swap3A : i32 to index
      %swap3A_157 = arith.index_cast %mul3A_155 : i32 to index
      %swap3A_158 = tpu.vector_load %arg8[%swap3A_156, %swap3A_157] {strides = array<i32>} : memref<2x4096xf32, #tpu.memory_space<vmem>>, vector<16xf32>,
      tpu.vector_store %arg8[%swap3A_156, %swap3A_157], %gather3A {strides = array<i32>} : memref<2x4096xf32, #tpu.memory_space<vmem>>, vector<16xf32>,
      %mul3A_159 = arith.constant 4 : i32
      %mul3A_160 = arith.muli %mul3A_159, %scan3A_140 : i32
      %add3A_161 = arith.constant 1 : i32
      %add3A_162 = arith.addi %mul3A_160, %add3A_161 : i32
      %mul3A_163 = arith.constant 16 : i32
      %mul3A_164 = arith.muli %add3A_162, %mul3A_163 : i32
      %add3A_165 = arith.constant 12288 : i32
      %add3A_166 = arith.addi %add3A_165, %mul3A_164 : i32
      %get3A_167 = arith.index_cast %add3A_166 : i32 to index
      %get3A_168 = tpu.vector_load %arg7[%get3A_167] {strides = array<i32>} : memref<16384xf32, #tpu.memory_space<vmem>>, vector<16xf32>,
      %mul3A_169 = arith.constant 1.000000e+05 : f32
      %mul3A_170 = vector.broadcast %mul3A_169 : f32 to vector<16xf32>
      %mul3A_171 = arith.mulf %get3A_168, %mul3A_170 : vector<16xf32>
      %convert_element_type3A_172 = arith.fptosi %mul3A_171 : vector<16xf32> to vector<16xi32>
      %gather3A_173 = tpu.vector_load_idx %arg6[%convert_element_type3A_172] : memref<100000xf32, #tpu.memory_space<vmem>>[vector<16xi32>], vector<16xf32>,
      %mul3A_174 = arith.constant 16 : i32
      %mul3A_175 = arith.muli %add3A_162, %mul3A_174 : i32
      %swap3A_176 = arith.constant 1 : i32
      %swap3A_177 = arith.index_cast %swap3A_176 : i32 to index
      %swap3A_178 = arith.index_cast %mul3A_175 : i32 to index
      %swap3A_179 = tpu.vector_load %arg8[%swap3A_177, %swap3A_178] {strides = array<i32>} : memref<2x4096xf32, #tpu.memory_space<vmem>>, vector<16xf32>,
      tpu.vector_store %arg8[%swap3A_177, %swap3A_178], %gather3A_173 {strides = array<i32>} : memref<2x4096xf32, #tpu.memory_space<vmem>>, vector<16xf32>,
      %mul3A_180 = arith.constant 4 : i32
      %mul3A_181 = arith.muli %mul3A_180, %scan3A_140 : i32
      %add3A_182 = arith.constant 2 : i32
      %add3A_183 = arith.addi %mul3A_181, %add3A_182 : i32
      %mul3A_184 = arith.constant 16 : i32
      %mul3A_185 = arith.muli %add3A_183, %mul3A_184 : i32
      %add3A_186 = arith.constant 12288 : i32
      %add3A_187 = arith.addi %add3A_186, %mul3A_185 : i32
      %get3A_188 = arith.index_cast %add3A_187 : i32 to index
      %get3A_189 = tpu.vector_load %arg7[%get3A_188] {strides = array<i32>} : memref<16384xf32, #tpu.memory_space<vmem>>, vector<16xf32>,
      %mul3A_190 = arith.constant 1.000000e+05 : f32
      %mul3A_191 = vector.broadcast %mul3A_190 : f32 to vector<16xf32>
      %mul3A_192 = arith.mulf %get3A_189, %mul3A_191 : vector<16xf32>
      %convert_element_type3A_193 = arith.fptosi %mul3A_192 : vector<16xf32> to vector<16xi32>
      %gather3A_194 = tpu.vector_load_idx %arg6[%convert_element_type3A_193] : memref<100000xf32, #tpu.memory_space<vmem>>[vector<16xi32>], vector<16xf32>,
      %mul3A_195 = arith.constant 16 : i32
      %mul3A_196 = arith.muli %add3A_183, %mul3A_195 : i32
      %swap3A_197 = arith.constant 1 : i32
      %swap3A_198 = arith.index_cast %swap3A_197 : i32 to index
      %swap3A_199 = arith.index_cast %mul3A_196 : i32 to index
      %swap3A_200 = tpu.vector_load %arg8[%swap3A_198, %swap3A_199] {strides = array<i32>} : memref<2x4096xf32, #tpu.memory_space<vmem>>, vector<16xf32>,
      tpu.vector_store %arg8[%swap3A_198, %swap3A_199], %gather3A_194 {strides = array<i32>} : memref<2x4096xf32, #tpu.memory_space<vmem>>, vector<16xf32>,
      %mul3A_201 = arith.constant 4 : i32
      %mul3A_202 = arith.muli %mul3A_201, %scan3A_140 : i32
      %add3A_203 = arith.constant 3 : i32
      %add3A_204 = arith.addi %mul3A_202, %add3A_203 : i32
      %mul3A_205 = arith.constant 16 : i32
      %mul3A_206 = arith.muli %add3A_204, %mul3A_205 : i32
      %add3A_207 = arith.constant 12288 : i32
      %add3A_208 = arith.addi %add3A_207, %mul3A_206 : i32
      %get3A_209 = arith.index_cast %add3A_208 : i32 to index
      %get3A_210 = tpu.vector_load %arg7[%get3A_209] {strides = array<i32>} : memref<16384xf32, #tpu.memory_space<vmem>>, vector<16xf32>,
      %mul3A_211 = arith.constant 1.000000e+05 : f32
      %mul3A_212 = vector.broadcast %mul3A_211 : f32 to vector<16xf32>
      %mul3A_213 = arith.mulf %get3A_210, %mul3A_212 : vector<16xf32>
      %convert_element_type3A_214 = arith.fptosi %mul3A_213 : vector<16xf32> to vector<16xi32>
      %gather3A_215 = tpu.vector_load_idx %arg6[%convert_element_type3A_214] : memref<100000xf32, #tpu.memory_space<vmem>>[vector<16xi32>], vector<16xf32>,
      %mul3A_216 = arith.constant 16 : i32
      %mul3A_217 = arith.muli %add3A_204, %mul3A_216 : i32
      %swap3A_218 = arith.constant 1 : i32
      %swap3A_219 = arith.index_cast %swap3A_218 : i32 to index
      %swap3A_220 = arith.index_cast %mul3A_217 : i32 to index
      %swap3A_221 = tpu.vector_load %arg8[%swap3A_219, %swap3A_220] {strides = array<i32>} : memref<2x4096xf32, #tpu.memory_space<vmem>>, vector<16xf32>,
      tpu.vector_store %arg8[%swap3A_219, %swap3A_220], %gather3A_215 {strides = array<i32>} : memref<2x4096xf32, #tpu.memory_space<vmem>>, vector<16xf32>,
    }
    %scan3A_100 = arith.constant 64 : i32
    %dma_start3A_101 = arith.constant 1 : i32
    %dma_start3A_102 = arith.constant 0 : i32
    %dma_start3A_103 = tpu.memref_slice %arg8[%dma_start3A_101, %dma_start3A_102] : memref<2x4096xf32, #tpu.memory_space<vmem>> -> memref<1x4096xf32, #tpu.memory_space<vmem>>
    %dma_start3A_104 = tpu.memref_squeeze %dma_start3A_103 : memref<1x4096xf32, #tpu.memory_space<vmem>> -> memref<4096xf32, #tpu.memory_space<vmem>>
    %dma_start3A_105 = arith.constant 12288 : i32
    %dma_start3A_106 = tpu.memref_slice %arg5[%add3A, %dma_start3A_105] : memref<32x16384xf32, #tpu.memory_space<hbm>> -> memref<1x4096xf32, #tpu.memory_space<hbm>>
    %dma_start3A_107 = tpu.memref_squeeze %dma_start3A_106 : memref<1x4096xf32, #tpu.memory_space<hbm>> -> memref<4096xf32, #tpu.memory_space<hbm>>
    %dma_start3A_108 = arith.constant 12288 : i32
    %dma_start3A_109 = tpu.memref_slice %arg5[%add3A, %dma_start3A_108] : memref<32x16384xf32, #tpu.memory_space<hbm>> -> memref<1x4096xf32, #tpu.memory_space<hbm>>
    %dma_start3A_110 = tpu.memref_squeeze %dma_start3A_109 : memref<1x4096xf32, #tpu.memory_space<hbm>> -> memref<4096xf32, #tpu.memory_space<hbm>>
    %dma_start3A_111 = arith.constant 0 : i32
    %dma_start3A_112 = tpu.memref_slice %arg8[%dma_start3A_101, %dma_start3A_111] : memref<2x4096xf32, #tpu.memory_space<vmem>> -> memref<1x4096xf32, #tpu.memory_space<vmem>>
    %dma_start3A_113 = tpu.memref_squeeze %dma_start3A_112 : memref<1x4096xf32, #tpu.memory_space<vmem>> -> memref<4096xf32, #tpu.memory_space<vmem>>
    tpu.enqueue_dma source(%dma_start3A_113 : memref<4096xf32, #tpu.memory_space<vmem>>) target(%dma_start3A_110 : memref<4096xf32, #tpu.memory_space<hbm>>) target_semaphore(%arg10 : memref<!tpu.dma_semaphore, #tpu.memory_space<semaphore_mem>>)
    %dma_wait3A_114 = arith.constant 0 : i32
    %dma_wait3A_115 = arith.constant 0 : i32
    %dma_wait3A_116 = tpu.memref_slice %arg8[%dma_wait3A_114, %dma_wait3A_115] : memref<2x4096xf32, #tpu.memory_space<vmem>> -> memref<1x4096xf32, #tpu.memory_space<vmem>>
    %dma_wait3A_117 = tpu.memref_squeeze %dma_wait3A_116 : memref<1x4096xf32, #tpu.memory_space<vmem>> -> memref<4096xf32, #tpu.memory_space<vmem>>
    %dma_wait3A_118 = arith.constant 8192 : i32
    %dma_wait3A_119 = tpu.memref_slice %arg5[%add3A, %dma_wait3A_118] : memref<32x16384xf32, #tpu.memory_space<hbm>> -> memref<1x4096xf32, #tpu.memory_space<hbm>>
    %dma_wait3A_120 = tpu.memref_squeeze %dma_wait3A_119 : memref<1x4096xf32, #tpu.memory_space<hbm>> -> memref<4096xf32, #tpu.memory_space<hbm>>
    %dma_wait3A_121 = arith.constant 8192 : i32
    %dma_wait3A_122 = tpu.memref_slice %arg5[%add3A, %dma_wait3A_121] : memref<32x16384xf32, #tpu.memory_space<hbm>> -> memref<1x4096xf32, #tpu.memory_space<hbm>>
    %dma_wait3A_123 = tpu.memref_squeeze %dma_wait3A_122 : memref<1x4096xf32, #tpu.memory_space<hbm>> -> memref<4096xf32, #tpu.memory_space<hbm>>
    %dma_wait3A_124 = arith.constant 0 : i32
    %dma_wait3A_125 = tpu.memref_slice %arg8[%dma_wait3A_114, %dma_wait3A_124] : memref<2x4096xf32, #tpu.memory_space<vmem>> -> memref<1x4096xf32, #tpu.memory_space<vmem>>
    %dma_wait3A_126 = tpu.memref_squeeze %dma_wait3A_125 : memref<1x4096xf32, #tpu.memory_space<vmem>> -> memref<4096xf32, #tpu.memory_space<vmem>>
    tpu.wait_dma2 semaphore(%arg10 : memref<!tpu.dma_semaphore, #tpu.memory_space<semaphore_mem>>) src(%dma_wait3A_126 : memref<4096xf32, #tpu.memory_space<vmem>>) dst(%dma_wait3A_123 : memref<4096xf32, #tpu.memory_space<hbm>>)
    %dma_wait3A_127 = arith.constant 1 : i32
    %dma_wait3A_128 = arith.constant 0 : i32
    %dma_wait3A_129 = tpu.memref_slice %arg8[%dma_wait3A_127, %dma_wait3A_128] : memref<2x4096xf32, #tpu.memory_space<vmem>> -> memref<1x4096xf32, #tpu.memory_space<vmem>>
    %dma_wait3A_130 = tpu.memref_squeeze %dma_wait3A_129 : memref<1x4096xf32, #tpu.memory_space<vmem>> -> memref<4096xf32, #tpu.memory_space<vmem>>
    %dma_wait3A_131 = arith.constant 12288 : i32
    %dma_wait3A_132 = tpu.memref_slice %arg5[%add3A, %dma_wait3A_131] : memref<32x16384xf32, #tpu.memory_space<hbm>> -> memref<1x4096xf32, #tpu.memory_space<hbm>>
    %dma_wait3A_133 = tpu.memref_squeeze %dma_wait3A_132 : memref<1x4096xf32, #tpu.memory_space<hbm>> -> memref<4096xf32, #tpu.memory_space<hbm>>
    %dma_wait3A_134 = arith.constant 12288 : i32
    %dma_wait3A_135 = tpu.memref_slice %arg5[%add3A, %dma_wait3A_134] : memref<32x16384xf32, #tpu.memory_space<hbm>> -> memref<1x4096xf32, #tpu.memory_space<hbm>>
    %dma_wait3A_136 = tpu.memref_squeeze %dma_wait3A_135 : memref<1x4096xf32, #tpu.memory_space<hbm>> -> memref<4096xf32, #tpu.memory_space<hbm>>
    %dma_wait3A_137 = arith.constant 0 : i32
    %dma_wait3A_138 = tpu.memref_slice %arg8[%dma_wait3A_127, %dma_wait3A_137] : memref<2x4096xf32, #tpu.memory_space<vmem>> -> memref<1x4096xf32, #tpu.memory_space<vmem>>
    %dma_wait3A_139 = tpu.memref_squeeze %dma_wait3A_138 : memref<1x4096xf32, #tpu.memory_space<vmem>> -> memref<4096xf32, #tpu.memory_space<vmem>>
    tpu.wait_dma2 semaphore(%arg10 : memref<!tpu.dma_semaphore, #tpu.memory_space<semaphore_mem>>) src(%dma_wait3A_139 : memref<4096xf32, #tpu.memory_space<vmem>>) dst(%dma_wait3A_136 : memref<4096xf32, #tpu.memory_space<hbm>>)
    return
  }
}

</mosaic_0001>

<sc_bundles>
// kernel: kernel.3.cloned.1.call-start
scs
__scs_entry_jumppad:
0x0: {  	(pc) =	sbr.rel $0x88, $3  }
0x1: {  	(tag) =	ssettag $0x0;
	lr =	simm.s32 $0x1  }
0x2: {  	[smem:$0x3F9E] =	sst lr;
	_ =	strace $0xD0000000  }
0x3: {  	_ = 	snop  }
0x4: {  	_ = 	snop  }
0x5: {  	_ = 	snop  }
0x6: {  	_ = 	snop  }
0x7: {  	_ = 	snop  }
__scs_overlays_trampoline_lowered:
0x8: {  	[smem:$0x3FAD] =	sst s0  }
0x9: {  	[smem:$0x3FAE] =	sst s1  }
0xa: {  	[smem:$0x3FAF] =	sst s2  }
0xb: {  	[smem:$0x3FB0] =	sst s3  }
0xc: {  	[smem:$0x3FB1] =	sst s4  }
0xd: {  	[smem:$0x3FB2] =	sst s5  }
0xe: {  	[smem:$0x3FB3] =	sst s6  }
0xf: {  	[smem:$0x3FB4] =	sst s7  }
0x10: {  	[smem:$0x3FB5] =	sst s8  }
0x11: {  	[smem:$0x3FB6] =	sst s9;
	s0 =	simm.s32 @!p0 $0x0  }
0x12: {  	s1 =	sld [smem:$0x3F9C];
	s0 =	simm.s32 @p0 $0x1  }
0x13: {  	[smem:$0x3FB7] =	sst s0;
	s0 =	simm.s32 @!p1 $0x0  }
0x14: {  	s2 =	sld [smem:$0x3F9B];
	s0 =	simm.s32 @p1 $0x1  }
0x15: {  	[smem:$0x3FB8] =	sst s0;
	s0 =	simm.s32 @!p2 $0x0  }
0x16: {  	s3 =	sld [smem:$0x3FDB];
	s0 =	simm.s32 @p2 $0x1  }
0x17: {  	s4 =	simm.s32 $0x1BF5;
	[smem:$0x3FBA] =	sst s0  }
0x18: {  	s0 =	sld [smem:$0x3F9D];
	_ =	swait.ge [sflag:s4], $0x0  }
0x19: {  	s7 =	sld [smem:$0x3F9E]  }
0x1a: {  	s8 =	sadd.s32 $0xFFFFE003, lr  }
0x1b: {  	s9 =	sadd.s32 $0xFFFFFEF7, lr;
	s5 =	simm.s32 $0xFFFFFFFF;
	p2 =	slt.u32 s8, $0xFFFFF086  }
0x1c: {  	p1 =	slt.u32 s9, $0xF7A;
	s5 =	simm.s32 @!p2 $0x0  }
0x1d: {  	s5 =	simm.s32 @p1 $0x1;
	p0 =	seq.s32 s7, s2  }
0x1e: {  	s7 =	smul.u32 @!p0 $0xF7A, s2;
	p2 =	seq.s32 @!p0 s5, $0x0  }
0x1f: {  	s9 =	smul.u32 $0xF7A, s1;
	s8 =	simm.s32 @!p0 $0x1BF5;
	p2 =	por !p2, p0  }
0x20: {  	[sflag:s8] =	ssyncset.s32 @!p0 $0xFFFFF086;
	s6 =	sadd.s32 @!p0 s3, s7;
	s7 =	simm.s32 @!p0 $0x108  }
0x21: {  	s3 =	sadd.s32 s3, s9;
	s6 =	sadd.s32 @!p0 $0x88, s6;
	s7 =	simm.s32 @p2 $0x1082  }
0x22: {  	[simem:s7], [sflag:s8] =	dma.local @!p0 [hbm:s6], $0xF7A  }
0x23: {  	s9 =	sor.u32 $0xD0000000, s2;
	s6 =	simm.s32 $0x108;
	_ =	swait.ge @!p0 [sflag:s8], $0x0  }
0x24: {  	s3 =	sadd.s32 $0x88, s3;
	s6 =	simm.s32 @!p1 $0x1082;
	[sflag:s4] =	ssyncset.s32 $0xFFFFF086  }
0x25: {  	[simem:s6], [sflag:s4] =	dma.local [hbm:s3], $0xF7A  }
0x26: {  	[smem:$0x3F9E] =	sst s1;
	(tag) =	ssettag s2;
	_ =	strace s9  }
0x27: {  	s1 =	sld [smem:$0x3FAE]  }
0x28: {  	s2 =	sld [smem:$0x3FAF]  }
0x29: {  	s4 =	sld [smem:$0x3FB1]  }
0x2a: {  	p0 =	seq.s32 s5, $0x0;
	s5 =	sld [smem:$0x3FB2]  }
0x2b: {  	s6 =	sld [smem:$0x3FB3]  }
0x2c: {  	s7 =	sld [smem:$0x3FB4]  }
0x2d: {  	s3 =	simm.s32 $0x108;
	s8 =	sld [smem:$0x3FB5]  }
0x2e: {  	s3 =	simm.s32 @!p0 $0x1082;
	s9 =	sld [smem:$0x3FB6]  }
0x2f: {  	lr =	sadd.s32 s0, s3;
	s0 =	sld [smem:$0x3FAD]  }
0x30: {  	s3 =	sld [smem:$0x3FB0]  }
0x31: {  	[smem:$0x3FB9] =	sst s10  }
0x32: {  	s10 =	sld [smem:$0x3FB7];
	_ =	sdelay $0x3  }
0x33: {  	p0 =	seq.s32 s10, $0x1;
	s10 =	sld [smem:$0x3FB9];
	_ =	sdelay $0x3  }
0x34: {  	[smem:$0x3FB9] =	sst s10  }
0x35: {  	s10 =	sld [smem:$0x3FB8];
	_ =	sdelay $0x3  }
0x36: {  	p1 =	seq.s32 s10, $0x1;
	s10 =	sld [smem:$0x3FB9];
	_ =	sdelay $0x3  }
0x37: {  	[smem:$0x3FB9] =	sst s10  }
0x38: {  	s10 =	sld [smem:$0x3FBA]  }
0x39: {  	_ = 	snop;
	(pc) =	sbr.ind lr, $3  }
0x3a: {  	_ = 	snop  }
0x3b: {  	_ = 	snop  }
0x3c: {  	p2 =	seq.s32 s10, $0x1;
	s10 =	sld [smem:$0x3FB9]  }
0x3d: {  	_ =	shalt  }
0x3e: {  	_ =	shalt  }
0x3f: {  	_ =	shalt  }
0x40: {  	_ =	shalt  }
0x41: {  	_ =	shalt  }
0x42: {  	_ =	shalt  }
0x43: {  	_ =	shalt  }
0x44: {  	_ =	shalt  }
0x45: {  	_ =	shalt  }
0x46: {  	_ =	shalt  }
0x47: {  	_ =	shalt  }
0x48: {  	_ =	shalt  }
0x49: {  	_ =	shalt  }
0x4a: {  	_ =	shalt  }
0x4b: {  	_ =	shalt  }
0x4c: {  	_ =	shalt  }
0x4d: {  	_ =	shalt  }
0x4e: {  	_ =	shalt  }
0x4f: {  	_ =	shalt  }
0x50: {  	_ =	shalt  }
0x51: {  	_ =	shalt  }
0x52: {  	_ =	shalt  }
0x53: {  	_ =	shalt  }
0x54: {  	_ =	shalt  }
0x55: {  	_ =	shalt  }
0x56: {  	_ =	shalt  }
0x57: {  	_ =	shalt  }
0x58: {  	_ =	shalt  }
0x59: {  	_ =	shalt  }
0x5a: {  	_ =	shalt  }
0x5b: {  	_ =	shalt  }
0x5c: {  	_ =	shalt  }
0x5d: {  	_ =	shalt  }
0x5e: {  	_ =	shalt  }
0x5f: {  	_ =	shalt  }
0x60: {  	_ =	shalt  }
0x61: {  	_ =	shalt  }
0x62: {  	_ =	shalt  }
0x63: {  	_ =	shalt  }
0x64: {  	_ =	shalt  }
0x65: {  	_ =	shalt  }
0x66: {  	_ =	shalt  }
0x67: {  	_ =	shalt  }
0x68: {  	_ =	shalt  }
0x69: {  	_ =	shalt  }
0x6a: {  	_ =	shalt  }
0x6b: {  	_ =	shalt  }
0x6c: {  	_ =	shalt  }
0x6d: {  	_ =	shalt  }
0x6e: {  	_ =	shalt  }
0x6f: {  	_ =	shalt  }
0x70: {  	_ =	shalt  }
0x71: {  	_ =	shalt  }
0x72: {  	_ =	shalt  }
0x73: {  	_ =	shalt  }
0x74: {  	_ =	shalt  }
0x75: {  	_ =	shalt  }
0x76: {  	_ =	shalt  }
0x77: {  	_ =	shalt  }
0x78: {  	_ =	shalt  }
0x79: {  	_ =	shalt  }
0x7a: {  	_ =	shalt  }
0x7b: {  	_ =	shalt  }
0x7c: {  	_ =	shalt  }
0x7d: {  	_ =	shalt  }
0x7e: {  	_ =	shalt  }
0x7f: {  	_ =	shalt  }
0x80: {  	_ =	shalt  }
0x81: {  	_ =	shalt  }
0x82: {  	_ =	shalt  }
0x83: {  	_ =	shalt  }
0x84: {  	_ =	shalt  }
0x85: {  	_ =	shalt  }
0x86: {  	_ =	shalt  }
0x87: {  	_ =	shalt  }
.Lfunc_end0:
.L_simem_size_0:
called_computation_lowered:
.L_overlay_start_0:
0x88: {  	s2 =	sld [smem:$0x3FD9]  }
0x89: {  	s3 =	sld [smem:$0x3FFE];
	_ =	sdelay $0x1  }
0x8a: {  	s1 =	srdreg.scid  }
0x8b: {  	s0 =	sand.u32 $0x1, s1  }
0x8c: {  	s18 =	sshll.u32 s0, $0xA;
	s2 =	sadd.s32 s3, s2  }
0x8d: {  	s2 =	sadd.s32 s2, s18  }
0x8e: {  	[smem:$0x3FC5] =	sst s2  }
0x8f: {  	_ = 	snop  }
0x90: {  	s2 =	sld [smem:$0x3FC9]  }
0x91: {  	s19 =	sld [smem:$0x3FC8]  }
0x92: {  	s4 =	sld [smem:$0x3FC7]  }
0x93: {  	s5 =	sld [smem:$0x3FD0];
	(tm) =	ssettm $0x1  }
0x94: {  	s6 =	sld [smem:$0x3FFB];
	_ =	sdelay $0x3  }
0x95: {  	_ =	strace s6  }
0x96: {  	s6 =	sld [smem:$0x3FFC];
	_ =	sdelay $0x3  }
0x97: {  	_ =	strace s6  }
0x98: {  	s6 =	sld [smem:$0x3FFD];
	_ =	sdelay $0x3  }
0x99: {  	_ =	strace s6  }
0x9a: {  	_ =	strace $0x8FFFFFFF  }
0x9b: {  	s20 =	sld [smem:$0x3FDB];
	_ =	sdelay $0x1  }
0x9c: {  	s7 =	simm.s32 $_scs_section_size  }
0x9d: {  	s8 =	simm.s32 $_size__tile_overlayer_lowered;
	s9 =	simm.s32 $_tile_overlayer_lowered  }
0x9e: {  	s23 =	simm.s32 $0x1BFF;
	s22 =	sshll.u32 s9, $0x1;
	s6 =	sadd.s32 s7, s20  }
0x9f: {  	s10 =	simm.s32 $0x0;
	s21 =	sshll.u32 s8, $0x1;
	s8 =	sadd.s32 s22, s6  }
0xa0: {  	[timem:s10], [sflag:s23] =	dma.local [hbm:s8], s21  }
0xa1: {  	_ =	swait.ge [sflag:s23], s21  }
0xa2: {  	s7 =	ssub.s32 $0x0, s21;
	[sflag:s23] =	ssyncset.done $0x0  }
0xa3: {  	[sflag:s23] =	ssyncadd.s32 s7;
	_ =	sdelay $0x1  }
0xa4: {  	s24 =	simm.s32 $0x1B8B  }
0xa5: {  	_ =	swait.ge [sflag:s24], $0x1  }
0xa6: {  	[sflag:s24] =	ssyncset.done $0x0  }
0xa7: {  	s25 =	simm.s32 $0x1B8E;
	[sflag:s24] =	ssyncadd.s32 $0xFFFFFFFF  }
0xa8: {  	s26 =	simm.s32 $execute0_lowered;
	[smem:$0x3FD2] =	sst s25  }
0xa9: {  	s7 =	sshll.u32 s26, $0x1;
	_ =	strace $0x80000046;
	[dreg:$0x1] =	wrdreg $0xFFFFFFFF  }
0xaa: {  	s28 =	simm.s32 $_size_execute0_lowered;
	s6 =	sadd.s32 s6, s7;
	[dreg:$0x0] =	wrdreg $0x0  }
0xab: {  	s7 =	sshll.u32 s28, $0x1;
	[dreg:$0x2] =	wrdreg s6  }
0xac: {  	[dreg:$0x3] =	wrdreg s7  }
0xad: {  	[dreg:$0x4] =	wrdreg $0xC0  }
0xae: {  	_ =	task [dreg:s10], $0x5FFFF  }
0xaf: {  	[dreg:$0x1] =	wrdreg $0xFFFFFFFF  }
0xb0: {  	[dreg:$0x0] =	wrdreg $0x60  }
0xb1: {  	[dreg:$0x2] =	wrdreg s2  }
0xb2: {  	[dreg:$0x3] =	wrdreg s19  }
0xb3: {  	[dreg:$0x4] =	wrdreg s4  }
0xb4: {  	[dreg:$0x5] =	wrdreg s5  }
0xb5: {  	[dreg:$0x6] =	wrdreg $0x9  }
0xb6: {  	_ =	task.clear_ibuf [dreg:s10], $0x7FFFF;
	_ =	strace $0x90000046  }
0xb7: {  	s29 =	simm.s32 $0x9;
	_ =	strace $0x80000048  }
0xb8: {  	_ =	swait.ge [sflag:s29], $0x1  }
0xb9: {  	[sflag:s29] =	ssyncadd.s32 $0xFFFFFFFF  }
0xba: {  	_ =	strace $0x90000048  }
0xbb: {  	_ =	sfence  }
0xbc: {  	s30 =	sld [smem:$0x0];
	_ =	sdelay $0x2  }
0xbd: {  	s31 =	sshll.u32 s1, $0xD;
	s1 =	sshrl.u32 s1, $0x2  }
0xbe: {  	s3 =	sand.u32 $0x4000, s31;
	s1 =	sadd.s32 s1, s30  }
0xbf: {  	s0 =	sor.u32 s3, s0;
	s1 =	sshll.u32 s1, $0x11  }
0xc0: {  	s0 =	sor.u32 s1, s0  }
0xc1: {  	s0 =	sadd.s32 $0x8F2B, s0  }
0xc2: {  	[sflag:s0] =	ssyncadd.remote.s32 $0x1  }
0xc3: {  	_ =	sfence.sel $0xFFFF  }
0xc4: {  	[dreg:$0x0] =	wrdreg $0xFFFFFFFF;
	(pc) =	sbr.abs _section_cstart, $3  }
0xc5: {  	[dreg:$0x1] =	wrdreg $0xFFFFFFFF  }
0xc6: {  	_ =	task.clear_ibuf [dreg:s10], $0x2FFFF;
	_ =	strace $0x9FFFFFFF  }
0xc7: {  	(tm) =	ssettm $0x7FFFFFFF  }
tec
execute0_lowered:
.L_overlay_start_1:
0x0: {  	(tag) =	ssettag $0x1  }
0x1: {  	s1 =	rddreg [dreg:$0x0]  }
0x2: {  	s4 =	rddreg [dreg:$0x1]  }
0x3: {  	s5 =	rddreg [dreg:$0x2]  }
0x4: {  	s6 =	rddreg [dreg:$0x3]  }
0x5: {  	s3 =	srdreg.scid;
	s0 =	rddreg [dreg:$0x4];
	s2 =	simm.s32 $0x0  }
0x6: {  	s14 =	simm.s32 $0x2;
	s15 =	simm.s32 $0x0;
	s7 =	sand.u32 $0x1, s3  }
0x7: {  	[smem:$0x7FF] =	sst s2;
	s3 =	stileid.u32;
	s8 =	ssub.s32 $0x2, s7  }
0x8: {  	_ =	strace $0x80000047;
	s25 =	sshrl.u32 s3, $0x3;
	s26 =	sshll.u32 s3, $0x7  }
0x9: {  	s10 =	sshll.u32 s3, $0xB;
	s12 =	sshll.u32 s7, $0xF;
	s13 =	sshll.u32 s3, $0x4  }
0xa: {  	p0 =	seq.s32 s7, $0x1;
	s7 =	sadd.s32 $0x10, s1;
	s9 =	sshrl.u32 s8, $0x1  }
0xb: {  	s10 =	sand.u32 $0x4000, s10;
	s29 =	sand.u32 $0x70, s13;
	s13 =	simm.s32 $0x1  }
0xc: {  	s11 =	ssub.s32 s8, s9;
	s8 =	smul.u32 $0xC3800, s25;
	s28 =	sor.u32 s12, s10  }
0xd: {  	s9 =	sand.u32 $0x380, s26;
	s12 =	simm.s32 $0x3;
	s31 =	sor.u32 s29, s28  }
0xe: {  	s11 =	smax.u32 s11, $0x1;
	s8 =	sor.u32 s9, s8;
	s6 =	sadd.s32 s6, s31  }
0xf: {  	s30 =	sshrl.u32 s8, $0x3;
	s8 =	sadd.s32 $0x1000, s6;
	s9 =	sadd.s32 $0x2000, s6  }
0x10: {  	s10 =	sadd.s32 $0x3000, s6;
	s4 =	sadd.s32 s4, s30;
	s5 =	sadd.s32 s5, s30  }
.LBB2_1:
0x11: {  	s16 =	simm.s32 @p0 $0x80;
	s17 =	simm.s32 @p0 $0x400;
	s18 =	simm.s32 @p0 $0x0  }
0x12: {  	[tilespmem:s18], [sflag:$0x1] =	stream.strided.gather @p0 [hbm4b:s5+s16], $0x18700, s17, s16, $0x38;
	[tilespmem:$0x1E700] =	vst v63  }
0x13: {  	s17 =	simm.s32 @p0 $0x100;
	s18 =	simm.s32 @p0 $0x18700  }
0x14: {  	[tilespmem:s18], [sflag:$0x3] =	stream.strided.gather @p0 [hbm4b:s7+s16], $0x4000, s17, s16, $0x38;
	[tilespmem:$0x1E700] =	vst v63  }
0x15: {  	s16 =	simm.s32 @!p0 $0x80;
	s17 =	simm.s32 @!p0 $0x400;
	s18 =	simm.s32 @!p0 $0x0  }
0x16: {  	[tilespmem:s18], [sflag:$0x1] =	stream.strided.gather @!p0 [hbm4b:s4+s16], $0x18700, s17, s16, $0x38;
	[tilespmem:$0x1E700] =	vst v63  }
0x17: {  	s17 =	simm.s32 @!p0 $0x100;
	s18 =	simm.s32 @!p0 $0x18700  }
0x18: {  	[tilespmem:s18], [sflag:$0x3] =	stream.strided.gather @!p0 [hbm4b:s1+s16], $0x4000, s17, s16, $0x38;
	[tilespmem:$0x1E700] =	vst v63  }
0x19: {  	_ =	swait.ge [sflag:s12], $0x4000  }
0x1a: {  	[sflag:s12] =	ssyncset.done $0x0  }
0x1b: {  	[sflag:s12] =	ssyncadd.s32 $0xFFFFC000  }
0x1c: {  	_ =	swait.ge [sflag:s13], $0x18700  }
0x1d: {  	s16 =	simm.s32 $0x18700;
	[sflag:s13] =	ssyncset.done $0x0  }
0x1e: {  	s17 =	simm.s32 $0x0;
	s18 =	simm.s32 $0x0;
	[sflag:s13] =	ssyncadd.s32 $0xFFFE7900  }
.LBB2_2:
0x1f: {  	v0 =	vld [tilespmem:s16+$0x0];
	_ =	sdelay $0x4  }
0x20: {  	v0 =	vmul.f32 $1.000000000e+05, v0;
	_ =	sdelay $0x1  }
0x21: {  	v0 =	vtrunc.f32 v0  }
0x22: {  	v0 =	vcvt.f32.s32 v0;
	_ =	sdelay $0x5  }
0x23: {  	v0 =	vld.idx.msk [tilespmem:v0+s2+$0x0], $0xffff;
	_ =	sdelay $0x1  }
0x24: {  	s19 =	sand.u32 $0x1F00, s17  }
0x25: {  	s20 =	sand.u32 $0x40, s18;
	s21 =	sand.u32 $0xF80, s18;
	s19 =	sadd.s32 $0x1C700, s19  }
0x26: {  	s23 =	sor.u32 $0x10, s20;
	s21 =	sadd.s32 $0x18700, s21;
	s22 =	sor.u32 s20, s19  }
0x27: {  	s26 =	sor.u32 s23, s21;
	[tilespmem:s22+$0x0] =	vst v0  }
0x28: {  	v0 =	vld [tilespmem:s26+$0x0];
	_ =	sdelay $0x4  }
0x29: {  	v0 =	vmul.f32 $1.000000000e+05, v0;
	_ =	sdelay $0x1  }
0x2a: {  	v0 =	vtrunc.f32 v0  }
0x2b: {  	v0 =	vcvt.f32.s32 v0;
	_ =	sdelay $0x5  }
0x2c: {  	v0 =	vld.idx.msk [tilespmem:v0+s2+$0x0], $0xffff;
	_ =	sdelay $0x3  }
0x2d: {  	s29 =	sor.u32 $0x20, s20;
	s28 =	sor.u32 s23, s19  }
0x2e: {  	s30 =	sor.u32 s29, s21;
	[tilespmem:s28+$0x0] =	vst v0  }
0x2f: {  	v0 =	vld [tilespmem:s30+$0x0];
	_ =	sdelay $0x4  }
0x30: {  	v0 =	vmul.f32 $1.000000000e+05, v0;
	_ =	sdelay $0x1  }
0x31: {  	v0 =	vtrunc.f32 v0  }
0x32: {  	v0 =	vcvt.f32.s32 v0;
	_ =	sdelay $0x5  }
0x33: {  	v0 =	vld.idx.msk [tilespmem:v0+s2+$0x0], $0xffff;
	_ =	sdelay $0x3  }
0x34: {  	s31 =	sor.u32 s29, s19;
	s20 =	sor.u32 $0x30, s20  }
0x35: {  	s21 =	sor.u32 s20, s21;
	[tilespmem:s31+$0x0] =	vst v0  }
0x36: {  	v0 =	vld [tilespmem:s21+$0x0];
	_ =	sdelay $0x4  }
0x37: {  	v0 =	vmul.f32 $1.000000000e+05, v0;
	_ =	sdelay $0x1  }
0x38: {  	v0 =	vtrunc.f32 v0  }
0x39: {  	v0 =	vcvt.f32.s32 v0;
	_ =	sdelay $0x5  }
0x3a: {  	p1 =	sne.s32 s18, $0xFC0;
	v0 =	vld.idx.msk [tilespmem:v0+s2+$0x0], $0xffff  }
.Ltmp0:
0x3b: {  	_ = 	snop;
	(pc) =	sbr.rel @p1 .LBB2_2-.Ltmp0, $3  }
0x3c: {  	_ =	sdelay $0x1  }
0x3d: {  	s19 =	sor.u32 s20, s19  }
0x3e: {  	s17 =	sadd.s32 $0x80, s17;
	s16 =	sadd.s32 $0x40, s16;
	s18 =	sadd.s32 $0x40, s18;
	[tilespmem:s19+$0x0] =	vst v0  }
0x3f: {  	s16 =	simm.s32 $0x0;
	s17 =	simm.s32 $0x1C700;
	s18 =	simm.s32 $0x0  }
.LBB2_4:
0x40: {  	p1 =	sne.s32 s18, $0xF80  }
.Ltmp1:
0x41: {  	_ = 	snop;
	(pc) =	sbr.rel @p1 .LBB2_4-.Ltmp1, $4  }
0x42: {  	_ = 	snop  }
0x43: {  	s19 =	sadd.s32 s18, s6  }
0x44: {  	[hbm4b:s19+s16] =	stream.linear.scatter [tilespmem:s17], [sflag:$0x2], $0x80, $0x38;
	[tilespmem:$0x1E700] =	vst v63  }
0x45: {  	s18 =	sadd.s32 $0x80, s18;
	s17 =	sadd.s32 $0x100, s17  }
0x46: {  	p1 =	por $0x0, $0x0;
	s17 =	simm.s32 $0x19730;
	s18 =	simm.s32 $0x0  }
.LBB2_6:
0x47: {  	s19 =	sand.u32 $0xFC0, s18  }
0x48: {  	v0 =	vld [tilespmem:s19+$0x19700];
	_ =	sdelay $0x4  }
0x49: {  	v0 =	vmul.f32 $1.000000000e+05, v0;
	_ =	sdelay $0x1  }
0x4a: {  	v0 =	vtrunc.f32 v0  }
0x4b: {  	v0 =	vcvt.f32.s32 v0;
	_ =	sdelay $0x5  }
0x4c: {  	s19 =	simm.s32 $0x1;
	v0 =	vld.idx.msk [tilespmem:v0+s2+$0x0], $0xffff  }
0x4d: {  	s19 =	simm.s32 @!p1 $0x0  }
0x4e: {  	s19 =	sshll.u32 s19, $0x6  }
0x4f: {  	s19 =	sadd.s32 s19, s16  }
0x50: {  	s20 =	sor.u32 $0x80, s19  }
0x51: {  	[tilespmem:s20+$0x1C700] =	vst v0  }
0x52: {  	v0 =	vld [tilespmem:s17+$0xFFFFFFE0];
	_ =	sdelay $0x4  }
0x53: {  	v0 =	vmul.f32 $1.000000000e+05, v0;
	_ =	sdelay $0x1  }
0x54: {  	v0 =	vtrunc.f32 v0  }
0x55: {  	v0 =	vcvt.f32.s32 v0;
	_ =	sdelay $0x5  }
0x56: {  	v0 =	vld.idx.msk [tilespmem:v0+s2+$0x0], $0xffff;
	_ =	sdelay $0x3  }
0x57: {  	s30 =	sor.u32 $0x90, s19  }
0x58: {  	[tilespmem:s30+$0x1C700] =	vst v0  }
0x59: {  	v0 =	vld [tilespmem:s17+$0xFFFFFFF0];
	_ =	sdelay $0x4  }
0x5a: {  	v0 =	vmul.f32 $1.000000000e+05, v0;
	_ =	sdelay $0x1  }
0x5b: {  	v0 =	vtrunc.f32 v0  }
0x5c: {  	v0 =	vcvt.f32.s32 v0;
	_ =	sdelay $0x5  }
0x5d: {  	v0 =	vld.idx.msk [tilespmem:v0+s2+$0x0], $0xffff;
	_ =	sdelay $0x3  }
0x5e: {  	s31 =	sor.u32 $0xA0, s19  }
0x5f: {  	[tilespmem:s31+$0x1C700] =	vst v0  }
0x60: {  	v0 =	vld [tilespmem:s17+$0x0];
	_ =	sdelay $0x4  }
0x61: {  	v0 =	vmul.f32 $1.000000000e+05, v0;
	_ =	sdelay $0x1  }
0x62: {  	v0 =	vtrunc.f32 v0  }
0x63: {  	v0 =	vcvt.f32.s32 v0;
	_ =	sdelay $0x5  }
0x64: {  	p2 =	sne.s32 s18, $0xFC0;
	v0 =	vld.idx.msk [tilespmem:v0+s2+$0x0], $0xffff  }
.Ltmp2:
0x65: {  	_ = 	snop;
	(pc) =	sbr.rel @p2 .LBB2_6-.Ltmp2, $3  }
0x66: {  	_ =	sdelay $0x1  }
0x67: {  	s18 =	sadd.s32 $0x40, s18;
	s19 =	sor.u32 $0xB0, s19  }
0x68: {  	p1 =	por !p1, !p1;
	s16 =	sadd.s32 $0x80, s16;
	s17 =	sadd.s32 $0x40, s17;
	[tilespmem:s19+$0x1C700] =	vst v0  }
0x69: {  	s16 =	simm.s32 $0x1C780  }
0x6a: {  	s17 =	simm.s32 $0x80;
	s19 =	sadd.s32 $0x0, s8;
	s18 =	simm.s32 $0x1C880  }
.LBB2_8:
0x6b: {  	[hbm4b:s19+s2] =	stream.linear.scatter [tilespmem:s16], [sflag:$0x2], $0x80, $0x38;
	[tilespmem:$0x1E700] =	vst v63  }
0x6c: {  	s19 =	smov.u32 s17;
	s16 =	smov.u32 s18;
	p1 =	sne.s32 s17, $0xF80  }
.Ltmp3:
0x6d: {  	s17 =	sadd.s32 $0x80, s17;
	(pc) =	sbr.rel @p1 .LBB2_8-.Ltmp3, $2  }
0x6e: {  	_ =	sdelay $0x2  }
0x6f: {  	s18 =	sadd.s32 $0x100, s18;
	s19 =	sadd.s32 s19, s8  }
0x70: {  	[hbm4b:s19+s2] =	stream.linear.scatter [tilespmem:s16], [sflag:$0x2], $0x80, $0x38;
	[tilespmem:$0x1E700] =	vst v63  }
0x71: {  	_ =	swait.ge [sflag:s14], $0x1000  }
0x72: {  	s16 =	simm.s32 $0x0;
	[sflag:s14] =	ssyncset.done $0x0  }
0x73: {  	s17 =	simm.s32 $0x1A730;
	s18 =	simm.s32 $0x0;
	[sflag:s14] =	ssyncadd.s32 $0xFFFFF000  }
.LBB2_10:
0x74: {  	s19 =	sand.u32 $0xFC0, s18  }
0x75: {  	v0 =	vld [tilespmem:s19+$0x1A700];
	_ =	sdelay $0x4  }
0x76: {  	v0 =	vmul.f32 $1.000000000e+05, v0;
	_ =	sdelay $0x1  }
0x77: {  	v0 =	vtrunc.f32 v0  }
0x78: {  	v0 =	vcvt.f32.s32 v0;
	_ =	sdelay $0x5  }
0x79: {  	v0 =	vld.idx.msk [tilespmem:v0+s2+$0x0], $0xffff;
	_ =	sdelay $0x2  }
0x7a: {  	s31 =	sand.u32 $0x40, s18;
	s20 =	sand.u32 $0x1F00, s16  }
0x7b: {  	s19 =	sor.u32 s31, s20  }
0x7c: {  	[tilespmem:s19+$0x1C700] =	vst v0  }
0x7d: {  	v0 =	vld [tilespmem:s17+$0xFFFFFFE0];
	_ =	sdelay $0x4  }
0x7e: {  	v0 =	vmul.f32 $1.000000000e+05, v0;
	_ =	sdelay $0x1  }
0x7f: {  	v0 =	vtrunc.f32 v0  }
0x80: {  	v0 =	vcvt.f32.s32 v0;
	_ =	sdelay $0x5  }
0x81: {  	v0 =	vld.idx.msk [tilespmem:v0+s2+$0x0], $0xffff;
	_ =	sdelay $0x3  }
0x82: {  	s19 =	sadd.s32 $0x1C700, s19  }
0x83: {  	[tilespmem:s19+$0x10] =	vst v0  }
0x84: {  	v0 =	vld [tilespmem:s17+$0xFFFFFFF0];
	_ =	sdelay $0x4  }
0x85: {  	v0 =	vmul.f32 $1.000000000e+05, v0;
	_ =	sdelay $0x1  }
0x86: {  	v0 =	vtrunc.f32 v0  }
0x87: {  	v0 =	vcvt.f32.s32 v0;
	_ =	sdelay $0x5  }
0x88: {  	v0 =	vld.idx.msk [tilespmem:v0+s2+$0x0], $0xffff;
	_ =	sdelay $0x4  }
0x89: {  	[tilespmem:s19+$0x20] =	vst v0  }
0x8a: {  	v0 =	vld [tilespmem:s17+$0x0];
	_ =	sdelay $0x4  }
0x8b: {  	v0 =	vmul.f32 $1.000000000e+05, v0;
	_ =	sdelay $0x1  }
0x8c: {  	v0 =	vtrunc.f32 v0  }
0x8d: {  	v0 =	vcvt.f32.s32 v0;
	_ =	sdelay $0x5  }
0x8e: {  	p1 =	sne.s32 s18, $0xFC0;
	v0 =	vld.idx.msk [tilespmem:v0+s2+$0x0], $0xffff  }
.Ltmp4:
0x8f: {  	_ = 	snop;
	(pc) =	sbr.rel @p1 .LBB2_10-.Ltmp4, $2  }
0x90: {  	_ =	sdelay $0x2  }
0x91: {  	s16 =	sadd.s32 $0x80, s16;
	s18 =	sadd.s32 $0x40, s18;
	s17 =	sadd.s32 $0x40, s17;
	[tilespmem:s19+$0x30] =	vst v0  }
0x92: {  	s16 =	simm.s32 $0x1C700  }
0x93: {  	s17 =	simm.s32 $0x80;
	s19 =	sadd.s32 $0x0, s9;
	s18 =	simm.s32 $0x1C800  }
.LBB2_12:
0x94: {  	[hbm4b:s19+s2] =	stream.linear.scatter [tilespmem:s16], [sflag:$0x2], $0x80, $0x38;
	[tilespmem:$0x1E700] =	vst v63  }
0x95: {  	s19 =	smov.u32 s17;
	s16 =	smov.u32 s18;
	p1 =	sne.s32 s17, $0xF80  }
.Ltmp5:
0x96: {  	s17 =	sadd.s32 $0x80, s17;
	(pc) =	sbr.rel @p1 .LBB2_12-.Ltmp5, $2  }
0x97: {  	_ =	sdelay $0x2  }
0x98: {  	s18 =	sadd.s32 $0x100, s18;
	s19 =	sadd.s32 s19, s9  }
0x99: {  	[hbm4b:s19+s2] =	stream.linear.scatter [tilespmem:s16], [sflag:$0x2], $0x80, $0x38;
	[tilespmem:$0x1E700] =	vst v63  }
0x9a: {  	_ =	swait.ge [sflag:s14], $0x1000  }
0x9b: {  	s16 =	simm.s32 $0x0;
	p1 =	por $0x0, $0x0;
	[sflag:s14] =	ssyncset.done $0x0  }
0x9c: {  	s17 =	simm.s32 $0x1B730;
	s18 =	simm.s32 $0x0;
	[sflag:s14] =	ssyncadd.s32 $0xFFFFF000  }
.LBB2_14:
0x9d: {  	s19 =	sand.u32 $0xFC0, s18  }
0x9e: {  	v0 =	vld [tilespmem:s19+$0x1B700];
	_ =	sdelay $0x4  }
0x9f: {  	v0 =	vmul.f32 $1.000000000e+05, v0;
	_ =	sdelay $0x1  }
0xa0: {  	v0 =	vtrunc.f32 v0  }
0xa1: {  	v0 =	vcvt.f32.s32 v0;
	_ =	sdelay $0x5  }
0xa2: {  	s19 =	simm.s32 $0x1;
	v0 =	vld.idx.msk [tilespmem:v0+s2+$0x0], $0xffff  }
0xa3: {  	s19 =	simm.s32 @!p1 $0x0  }
0xa4: {  	s19 =	sshll.u32 s19, $0x6  }
0xa5: {  	s19 =	sadd.s32 s19, s16  }
0xa6: {  	s20 =	sor.u32 $0x80, s19  }
0xa7: {  	[tilespmem:s20+$0x1C700] =	vst v0  }
0xa8: {  	v0 =	vld [tilespmem:s17+$0xFFFFFFE0];
	_ =	sdelay $0x4  }
0xa9: {  	v0 =	vmul.f32 $1.000000000e+05, v0;
	_ =	sdelay $0x1  }
0xaa: {  	v0 =	vtrunc.f32 v0  }
0xab: {  	v0 =	vcvt.f32.s32 v0;
	_ =	sdelay $0x5  }
0xac: {  	v0 =	vld.idx.msk [tilespmem:v0+s2+$0x0], $0xffff;
	_ =	sdelay $0x3  }
0xad: {  	s30 =	sor.u32 $0x90, s19  }
0xae: {  	[tilespmem:s30+$0x1C700] =	vst v0  }
0xaf: {  	v0 =	vld [tilespmem:s17+$0xFFFFFFF0];
	_ =	sdelay $0x4  }
0xb0: {  	v0 =	vmul.f32 $1.000000000e+05, v0;
	_ =	sdelay $0x1  }
0xb1: {  	v0 =	vtrunc.f32 v0  }
0xb2: {  	v0 =	vcvt.f32.s32 v0;
	_ =	sdelay $0x5  }
0xb3: {  	v0 =	vld.idx.msk [tilespmem:v0+s2+$0x0], $0xffff;
	_ =	sdelay $0x3  }
0xb4: {  	s31 =	sor.u32 $0xA0, s19  }
0xb5: {  	[tilespmem:s31+$0x1C700] =	vst v0  }
0xb6: {  	v0 =	vld [tilespmem:s17+$0x0];
	_ =	sdelay $0x4  }
0xb7: {  	v0 =	vmul.f32 $1.000000000e+05, v0;
	_ =	sdelay $0x1  }
0xb8: {  	v0 =	vtrunc.f32 v0  }
0xb9: {  	v0 =	vcvt.f32.s32 v0;
	_ =	sdelay $0x5  }
0xba: {  	p2 =	sne.s32 s18, $0xFC0;
	v0 =	vld.idx.msk [tilespmem:v0+s2+$0x0], $0xffff  }
.Ltmp6:
0xbb: {  	_ = 	snop;
	(pc) =	sbr.rel @p2 .LBB2_14-.Ltmp6, $3  }
0xbc: {  	_ =	sdelay $0x1  }
0xbd: {  	s18 =	sadd.s32 $0x40, s18;
	s19 =	sor.u32 $0xB0, s19  }
0xbe: {  	p1 =	por !p1, !p1;
	s16 =	sadd.s32 $0x80, s16;
	s17 =	sadd.s32 $0x40, s17;
	[tilespmem:s19+$0x1C700] =	vst v0  }
0xbf: {  	s16 =	simm.s32 $0x1C780  }
0xc0: {  	s17 =	simm.s32 $0x80;
	s19 =	sadd.s32 $0x0, s10;
	s18 =	simm.s32 $0x1C880  }
.LBB2_16:
0xc1: {  	[hbm4b:s19+s2] =	stream.linear.scatter [tilespmem:s16], [sflag:$0x2], $0x80, $0x38;
	[tilespmem:$0x1E700] =	vst v63  }
0xc2: {  	s19 =	smov.u32 s17;
	s16 =	smov.u32 s18;
	p1 =	sne.s32 s17, $0xF80  }
.Ltmp7:
0xc3: {  	s17 =	sadd.s32 $0x80, s17;
	(pc) =	sbr.rel @p1 .LBB2_16-.Ltmp7, $2  }
0xc4: {  	_ =	sdelay $0x2  }
0xc5: {  	s18 =	sadd.s32 $0x100, s18;
	s19 =	sadd.s32 s19, s10  }
0xc6: {  	[hbm4b:s19+s2] =	stream.linear.scatter [tilespmem:s16], [sflag:$0x2], $0x80, $0x38;
	[tilespmem:$0x1E700] =	vst v63  }
0xc7: {  	s15 =	sadd.s32 $0x1, s15  }
0xc8: {  	_ =	swait.ge [sflag:s14], $0x1000;
	p1 =	sne.s32 s15, s11  }
.Ltmp8:
0xc9: {  	[sflag:s14] =	ssyncset.done $0x0;
	(pc) =	sbr.rel @p1 .LBB2_1-.Ltmp8, $4  }
0xca: {  	[sflag:s14] =	ssyncadd.s32 $0xFFFFF000  }
0xcb: {  	_ =	swait.ge [sflag:s14], $0x1000  }
0xcc: {  	[sflag:s14] =	ssyncset.done $0x0  }
0xcd: {  	[sflag:s14] =	ssyncadd.s32 $0xFFFFF000  }
0xce: {  	_ =	sfence.sel $0x180000  }
0xcf: {  	[bflag:$0x0] =	sbarrier.arrive $0xFFFF  }
0xd0: {  	p0 =	sne.s32 s3, $0x0;
	_ =	strace $0x90000047  }
0xd1: {  	s0 =	sadd.s32 @!p0 $0x100000, s0;
	[bflag:$0x2] =	sbarrier.arrive $0xFFFF  }
0xd2: {  	[sflag:s0] =	ssyncadd.tile.s32 @!p0 $0x1;
	_ =	shalt  }
.Lfunc_end2:
_tile_overlayer_lowered:
.L_overlay_start_2:
0xd3: {  	(tag) =	ssettag $0x2  }
0xd4: {  	s0 =	rddreg [dreg:$0x0];
	s2 =	stileid.u32  }
0xd5: {  	s1 =	rddreg [dreg:$0x1];
	p0 =	sne.s32 s2, $0x0  }
0xd6: {  	s3 =	rddreg [dreg:$0x2];
	[bflag:$0x3] =	sbarrier.arrive $0xFFFF;
	s2 =	simm.s32 @!p0 $0x1C03  }
0xd7: {  	[timem:s3], [sflag:s2] =	dma.local @!p0 [hbm:s0], s1  }
0xd8: {  	s0 =	simm.s32 @!p0 $0x3  }
0xd9: {  	_ =	swait.ge @!p0 [sflag:s0], s1  }
0xda: {  	s1 =	ssub.s32 @!p0 $0x0, s1;
	[sflag:s0] =	ssyncset.done @!p0 $0x0  }
0xdb: {  	[sflag:s0] =	ssyncadd.s32 @!p0 s1  }
0xdc: {  	[bflag:$0x3] =	sbarrier.arrive $0xFFFF  }
0xdd: {  	_ =	shalt  }

</sc_bundles>
